<compile_context>
chip_gen: v7x
topology: tpu7x:2x2x1
jax: 0.10.2.dev20260603
libtpu: 0.0.44.dev20260713+nightly
codegen_flags: <defaults>
</compile_context>

<pallas_src>
import functools

import jax
import jax.numpy as jnp
from jax import lax
from jax.experimental import pallas as pl
from jax.experimental.pallas import tpu as pltpu
from jax.experimental.pallas import tpu_sc as plsc

N = 1024
D_IN = 256
D_OUT = 64
H = 12
E = 32768
HID = 48
ALPHA = 0.8
BETA = 0.5

NC = 2
NS = 16
NW = NC * NS
ROWS_PER_W = N // NW
LANES = 16


def _build_counts(edges_flat):
    mesh = plsc.VectorSubcoreMesh(core_axis_name="c", subcore_axis_name="s")

    @functools.partial(
        pl.kernel,
        out_type=jax.ShapeDtypeStruct((N * N,), jnp.float32),
        mesh=mesh,
        scratch_types=[
            pltpu.VMEM((E,), jnp.int32),
            pltpu.VMEM((E,), jnp.int32),
            pltpu.VMEM((ROWS_PER_W * N,), jnp.float32),
        ],
        compiler_params=pltpu.CompilerParams(needs_layout_passes=False),
    )
    def sc_kernel(edges_hbm, out_hbm, src_v, dst_v, c_v):
        wid = lax.axis_index("s") * NC + lax.axis_index("c")
        lo = wid * ROWS_PER_W
        ones = jnp.full((LANES,), 1.0, jnp.float32)
        zeros = jnp.zeros((LANES,), jnp.float32)

        @pl.loop(0, ROWS_PER_W * N, step=LANES, unroll=16)
        def _(i):
            c_v[pl.ds(i, LANES)] = zeros

        pltpu.sync_copy(edges_hbm.at[pl.ds(0, E)], src_v)
        pltpu.sync_copy(edges_hbm.at[pl.ds(E, E)], dst_v)

        @pl.loop(0, E, step=LANES, unroll=8)
        def _(j):
            s16 = src_v[pl.ds(j, LANES)]
            d16 = dst_v[pl.ds(j, LANES)]
            rel = d16 - lo
            msk = (rel >= 0) & (rel < ROWS_PER_W)
            li = jnp.where(msk, rel * N + s16, 0)
            plsc.addupdate_scatter(c_v, [li], ones, mask=msk)

        pltpu.sync_copy(c_v, out_hbm.at[pl.ds(lo * N, ROWS_PER_W * N)])

    return sc_kernel(edges_flat)


def _split3(mm, a, b):
    a_hi = a.astype(jnp.bfloat16)
    a_lo = (a - a_hi.astype(jnp.float32)).astype(jnp.bfloat16)
    b_hi = b.astype(jnp.bfloat16)
    b_lo = (b - b_hi.astype(jnp.float32)).astype(jnp.bfloat16)
    return mm(a_hi, b_hi) + mm(a_hi, b_lo) + mm(a_lo, b_hi)


def _gat_body(f_ref, w_ref, asrc_ref, adst_ref, c_ref, o_ref):
    h_idx = pl.program_id(0)
    mm = functools.partial(jnp.dot, preferred_element_type=jnp.float32)
    hb = jnp.dot(f_ref[...], w_ref[0], preferred_element_type=jnp.float32)
    e_src = lax.dot_general(asrc_ref[0], hb, (((1,), (1,)), ((), ())),
                            preferred_element_type=jnp.float32,
                    precision=lax.Precision.HIGHEST)
    e_dst = jnp.dot(hb, adst_ref[0].reshape(D_OUT, 1),
                    preferred_element_type=jnp.float32,
                    precision=lax.Precision.HIGHEST)
    e = e_dst + e_src
    e = jnp.maximum(e, 0.2 * e)
    cex = c_ref[0] * jnp.exp(e)
    hb_ext = jnp.concatenate([hb, jnp.ones((N, 1), jnp.float32)], axis=1)
    out_ext = _split3(mm, cex, hb_ext)
    out_h = out_ext[:, :D_OUT]
    denom = out_ext[:, D_OUT:D_OUT + 1]
    contrib = jnp.maximum(out_h / (denom + 1e-9), 0.0) * (1.0 / H)

    @pl.when(h_idx == 0)
    def _():
        o_ref[0] = contrib

    @pl.when(h_idx != 0)
    def _():
        o_ref[0] += contrib


def _gat_view(feature, w_v, a_src_v, a_dst_v, counts_v):
    return pl.pallas_call(
        _gat_body,
        grid=(H,),
        in_specs=[
            pl.BlockSpec((N, D_IN), lambda h: (0, 0)),
            pl.BlockSpec((1, D_IN, D_OUT), lambda h: (h, 0, 0)),
            pl.BlockSpec((1, 1, D_OUT), lambda h: (h, 0, 0)),
            pl.BlockSpec((1, 1, D_OUT), lambda h: (h, 0, 0)),
            pl.BlockSpec((1, N, N), lambda h: (0, 0, 0)),
        ],
        out_specs=pl.BlockSpec((1, N, D_OUT), lambda h: (0, 0, 0)),
        out_shape=jax.ShapeDtypeStruct((1, N, D_OUT), jnp.float32),
    )(feature, w_v, a_src_v, a_dst_v, counts_v)


def _fuse_body(views_ref, wq_ref, wk_ref, mvw_ref, mvb_ref, o_ref):
    d_k = float((HID / N) ** 0.5)
    mvw = mvw_ref[...].astype(jnp.bfloat16).astype(jnp.float32)
    mixeds = []
    omegas = []
    for v in range(3):
        xv = views_ref[v]
        q = jnp.dot(xv, wq_ref[...], preferred_element_type=jnp.float32)
        k = jnp.dot(xv, wk_ref[...], preferred_element_type=jnp.float32)
        attn = lax.dot_general(q, k, (((1,), (1,)), ((), ())),
                               preferred_element_type=jnp.float32) / d_k
        fused = jnp.dot(attn, xv, preferred_element_type=jnp.float32)
        mixed = ALPHA * fused + (1.0 - ALPHA) * xv
        mixeds.append(mixed)
        mx = mixed.astype(jnp.bfloat16).astype(jnp.float32)
        s = jnp.sum(mx * mvw, axis=1, keepdims=True)
        s = jnp.sum(s, axis=0, keepdims=True)
        omegas.append(jax.nn.sigmoid(s + mvb_ref[...]))
    mv_out = (omegas[0] * mixeds[0] + omegas[1] * mixeds[1]
              + omegas[2] * mixeds[2])
    for v in range(3):
        o_ref[v] = BETA * mixeds[v] + (1.0 - BETA) * mv_out


def _fuse(views, wq, wk, mvw2d, mvb2d):
    return pl.pallas_call(
        _fuse_body,
        out_shape=jax.ShapeDtypeStruct((3, N, D_OUT), jnp.float32),
    )(views, wq, wk, mvw2d, mvb2d)


def _per_head(w, a_src, a_dst):
    w_h = w.reshape(D_IN, H, D_OUT).transpose(1, 0, 2)
    return w_h, a_src.reshape(H, 1, D_OUT), a_dst.reshape(H, 1, D_OUT)


def kernel(feature, s_edge_index, t_edge_index, poi_edge_index,
           W_s, a_src_s, a_dst_s, W_t, a_src_t, a_dst_t,
           W_p, a_src_p, a_dst_p, Wq, Wk, mv_w, mv_b):
    edge_lists = [s_edge_index, t_edge_index, poi_edge_index]
    params = [(W_s, a_src_s, a_dst_s), (W_t, a_src_t, a_dst_t),
              (W_p, a_src_p, a_dst_p)]

    counts_list = [
        _build_counts(ei.astype(jnp.int32).reshape(-1)).reshape(1, N, N)
        for ei in edge_lists]
    views = []
    for counts, p in zip(counts_list, params):
        w_h, a_s_h, a_d_h = _per_head(*p)
        views.append(_gat_view(feature, w_h, a_s_h, a_d_h, counts))
    views = jnp.concatenate(views)

    mvw2d = mv_w.reshape(N, D_OUT)
    mvb2d = jnp.reshape(mv_b, (1, 1)).astype(jnp.float32)
    return _fuse(views, Wq, Wk, mvw2d, mvb2d)

# --- scband reference (transcript-rebuilt; emitter-appended) ---
"""Pipeline reference for scband-mvure-layer-42571715838131 (READ-ONLY COPY).

The authoritative reference and input builder live on the scoring server;
editing this copy changes nothing except your own understanding.
"""

import jax, jax.numpy as jnp
import numpy as np

N = 1024
D_IN = 256
D_OUT = 64
H = 12
E = 32768
HID = 48
ALPHA = 0.8
BETA = 0.5


def setup_inputs(seed: int = 0) -> dict:
    key = jax.random.key(seed)
    ks = jax.random.split(key, 20)
    feature = jax.random.normal(ks[0], (N, D_IN), dtype=jnp.float32)
    s_edge_index = jax.random.randint(ks[1], (2, E), 0, N, dtype=jnp.int64) if jax.config.jax_enable_x64 else jax.random.randint(ks[1], (2, E), 0, N).astype(jnp.int32)
    t_edge_index = jax.random.randint(ks[2], (2, E), 0, N).astype(s_edge_index.dtype)
    poi_edge_index = jax.random.randint(ks[3], (2, E), 0, N).astype(s_edge_index.dtype)
    sc = 0.05
    W_s = jax.random.normal(ks[4], (D_IN, H * D_OUT), dtype=jnp.float32) * sc
    a_src_s = jax.random.normal(ks[5], (H, D_OUT), dtype=jnp.float32) * sc
    a_dst_s = jax.random.normal(ks[6], (H, D_OUT), dtype=jnp.float32) * sc
    W_t = jax.random.normal(ks[7], (D_IN, H * D_OUT), dtype=jnp.float32) * sc
    a_src_t = jax.random.normal(ks[8], (H, D_OUT), dtype=jnp.float32) * sc
    a_dst_t = jax.random.normal(ks[9], (H, D_OUT), dtype=jnp.float32) * sc
    W_p = jax.random.normal(ks[10], (D_IN, H * D_OUT), dtype=jnp.float32) * sc
    a_src_p = jax.random.normal(ks[11], (H, D_OUT), dtype=jnp.float32) * sc
    a_dst_p = jax.random.normal(ks[12], (H, D_OUT), dtype=jnp.float32) * sc
    Wq = jax.random.normal(ks[13], (D_OUT, HID), dtype=jnp.float32) * sc
    Wk = jax.random.normal(ks[14], (D_OUT, HID), dtype=jnp.float32) * sc
    mv_w = jax.random.normal(ks[15], (N * D_OUT,), dtype=jnp.float32) * (1.0 / np.sqrt(N * D_OUT))
    mv_b = jnp.zeros((), dtype=jnp.float32)
    return {
        "feature": feature,
        "s_edge_index": s_edge_index,
        "t_edge_index": t_edge_index,
        "poi_edge_index": poi_edge_index,
        "W_s": W_s, "a_src_s": a_src_s, "a_dst_s": a_dst_s,
        "W_t": W_t, "a_src_t": a_src_t, "a_dst_t": a_dst_t,
        "W_p": W_p, "a_src_p": a_src_p, "a_dst_p": a_dst_p,
        "Wq": Wq, "Wk": Wk, "mv_w": mv_w, "mv_b": mv_b,
    }


def _gat(x, edge_index, W, a_src, a_dst):
    src = edge_index[0]
    dst = edge_index[1]
    h = (x @ W).reshape(N, H, D_OUT)
    h_src = h[src]
    h_dst = h[dst]
    e = jnp.sum(h_src * a_src[None], axis=-1) + jnp.sum(h_dst * a_dst[None], axis=-1)
    e = jax.nn.leaky_relu(e, 0.2)
    m = jax.ops.segment_max(e, dst, num_segments=N)
    m = jnp.where(jnp.isfinite(m), m, 0.0)
    ex = jnp.exp(e - m[dst])
    denom = jax.ops.segment_sum(ex, dst, num_segments=N)
    alpha = ex / (denom[dst] + 1e-9)
    out = jax.ops.segment_sum(h_src * alpha[:, :, None], dst, num_segments=N)
    out = jax.nn.relu(out)
    return out.mean(axis=1)


def reference(feature, s_edge_index, t_edge_index, poi_edge_index,
              W_s, a_src_s, a_dst_s, W_t, a_src_t, a_dst_t,
              W_p, a_src_p, a_dst_p, Wq, Wk, mv_w, mv_b):
    s_out = _gat(feature, s_edge_index, W_s, a_src_s, a_dst_s)
    t_out = _gat(feature, t_edge_index, W_t, a_src_t, a_dst_t)
    poi_out = _gat(feature, poi_edge_index, W_p, a_src_p, a_dst_p)
    views = jnp.stack([s_out, t_out, poi_out], axis=0)

    d_k = float(np.sqrt(HID / N))

    def _self_attn(xv):
        Q = xv @ Wq
        K = xv @ Wk
        attn = (Q @ K.T) / d_k
        return attn @ xv

    fused = jax.vmap(_self_attn)(views)
    mixed = ALPHA * fused + (1.0 - ALPHA) * views

    flat = mixed.reshape(3, N * D_OUT)
    omega = jax.nn.sigmoid(flat @ mv_w + mv_b)
    mv_out = jnp.sum(omega[:, None, None] * mixed, axis=0)

    result = BETA * mixed + (1.0 - BETA) * mv_out[None]
    return result

if __name__ == "__main__":
    import jax
    _d = setup_inputs()
    print(jax.jit(kernel)(*tuple(_d.values())))

</pallas_src>

<mosaic_0001>
#map = affine_map<(d0, d1) -> (0)>
module attributes {stable_mosaic.version = 14 : i64} {
  func.func @sc_kernel(%arg0: i32, %arg1: i32, %arg2: memref<65536xi32, #tpu.memory_space<hbm>>, %arg3: memref<1048576xf32, #tpu.memory_space<hbm>>, %arg4: memref<32768xi32, #tpu.memory_space<vmem>>, %arg5: memref<32768xi32, #tpu.memory_space<vmem>>, %arg6: memref<32768xf32, #tpu.memory_space<vmem>>) attributes {dimension_semantics = [#tpu.dimension_semantics<core_parallel>, #tpu.dimension_semantics<subcore_parallel>], iteration_bounds = array<i64: 2, 16>, scalar_prefetch = 0 : i64, scratch_operands = 3 : i64, tpu.core_type = #tpu.core_type<sc_vector_subcore>, window_params = [{transform_indices = #map}, {transform_indices = #map}]} {
    %mul3A = arith.constant 2 : i32
    %mul3A_0 = arith.muli %arg1, %mul3A : i32
    %add3A = arith.addi %mul3A_0, %arg0 : i32
    %mul3A_1 = arith.constant 32 : i32
    %mul3A_2 = arith.muli %add3A, %mul3A_1 : i32
    %broadcast_in_dim3A = arith.constant 1.000000e+00 : f32
    %broadcast_in_dim3A_3 = vector.broadcast %broadcast_in_dim3A : f32 to vector<16xf32>
    %broadcast_in_dim3A_4 = arith.constant 0.000000e+00 : f32
    %broadcast_in_dim3A_5 = vector.broadcast %broadcast_in_dim3A_4 : f32 to vector<16xf32>
    %scan3A = arith.constant 0 : i32
    %scan3A_6 = arith.constant 2048 : i32
    %scan3A_7 = arith.addi %scan3A, %scan3A_6 : i32
    %scan3A_8 = arith.constant 16 : i32
    scf.for %scan3A_17 = %scan3A to %scan3A_7 step %scan3A_8  : i32 {
      %mul3A_18 = arith.constant 16 : i32
      %mul3A_19 = arith.muli %scan3A_17, %mul3A_18 : i32
      %add3A_20 = arith.constant 0 : i32
      %add3A_21 = arith.addi %add3A_20, %mul3A_19 : i32
      %swap3A = arith.index_cast %add3A_21 : i32 to index
      %swap3A_22 = tpu.vector_load %arg6[%swap3A] {strides = array<i32>} : memref<32768xf32, #tpu.memory_space<vmem>>, vector<16xf32>,
      tpu.vector_store %arg6[%swap3A], %broadcast_in_dim3A_5 {strides = array<i32>} : memref<32768xf32, #tpu.memory_space<vmem>>, vector<16xf32>,
      %scan3A_23 = arith.constant 1 : i32
      %scan3A_24 = arith.addi %scan3A_17, %scan3A_23 : i32
      %mul3A_25 = arith.constant 16 : i32
      %mul3A_26 = arith.muli %scan3A_24, %mul3A_25 : i32
      %add3A_27 = arith.constant 0 : i32
      %add3A_28 = arith.addi %add3A_27, %mul3A_26 : i32
      %swap3A_29 = arith.index_cast %add3A_28 : i32 to index
      %swap3A_30 = tpu.vector_load %arg6[%swap3A_29] {strides = array<i32>} : memref<32768xf32, #tpu.memory_space<vmem>>, vector<16xf32>,
      tpu.vector_store %arg6[%swap3A_29], %broadcast_in_dim3A_5 {strides = array<i32>} : memref<32768xf32, #tpu.memory_space<vmem>>, vector<16xf32>,
      %scan3A_31 = arith.constant 2 : i32
      %scan3A_32 = arith.addi %scan3A_17, %scan3A_31 : i32
      %mul3A_33 = arith.constant 16 : i32
      %mul3A_34 = arith.muli %scan3A_32, %mul3A_33 : i32
      %add3A_35 = arith.constant 0 : i32
      %add3A_36 = arith.addi %add3A_35, %mul3A_34 : i32
      %swap3A_37 = arith.index_cast %add3A_36 : i32 to index
      %swap3A_38 = tpu.vector_load %arg6[%swap3A_37] {strides = array<i32>} : memref<32768xf32, #tpu.memory_space<vmem>>, vector<16xf32>,
      tpu.vector_store %arg6[%swap3A_37], %broadcast_in_dim3A_5 {strides = array<i32>} : memref<32768xf32, #tpu.memory_space<vmem>>, vector<16xf32>,
      %scan3A_39 = arith.constant 3 : i32
      %scan3A_40 = arith.addi %scan3A_17, %scan3A_39 : i32
      %mul3A_41 = arith.constant 16 : i32
      %mul3A_42 = arith.muli %scan3A_40, %mul3A_41 : i32
      %add3A_43 = arith.constant 0 : i32
      %add3A_44 = arith.addi %add3A_43, %mul3A_42 : i32
      %swap3A_45 = arith.index_cast %add3A_44 : i32 to index
      %swap3A_46 = tpu.vector_load %arg6[%swap3A_45] {strides = array<i32>} : memref<32768xf32, #tpu.memory_space<vmem>>, vector<16xf32>,
      tpu.vector_store %arg6[%swap3A_45], %broadcast_in_dim3A_5 {strides = array<i32>} : memref<32768xf32, #tpu.memory_space<vmem>>, vector<16xf32>,
      %scan3A_47 = arith.constant 4 : i32
      %scan3A_48 = arith.addi %scan3A_17, %scan3A_47 : i32
      %mul3A_49 = arith.constant 16 : i32
      %mul3A_50 = arith.muli %scan3A_48, %mul3A_49 : i32
      %add3A_51 = arith.constant 0 : i32
      %add3A_52 = arith.addi %add3A_51, %mul3A_50 : i32
      %swap3A_53 = arith.index_cast %add3A_52 : i32 to index
      %swap3A_54 = tpu.vector_load %arg6[%swap3A_53] {strides = array<i32>} : memref<32768xf32, #tpu.memory_space<vmem>>, vector<16xf32>,
      tpu.vector_store %arg6[%swap3A_53], %broadcast_in_dim3A_5 {strides = array<i32>} : memref<32768xf32, #tpu.memory_space<vmem>>, vector<16xf32>,
      %scan3A_55 = arith.constant 5 : i32
      %scan3A_56 = arith.addi %scan3A_17, %scan3A_55 : i32
      %mul3A_57 = arith.constant 16 : i32
      %mul3A_58 = arith.muli %scan3A_56, %mul3A_57 : i32
      %add3A_59 = arith.constant 0 : i32
      %add3A_60 = arith.addi %add3A_59, %mul3A_58 : i32
      %swap3A_61 = arith.index_cast %add3A_60 : i32 to index
      %swap3A_62 = tpu.vector_load %arg6[%swap3A_61] {strides = array<i32>} : memref<32768xf32, #tpu.memory_space<vmem>>, vector<16xf32>,
      tpu.vector_store %arg6[%swap3A_61], %broadcast_in_dim3A_5 {strides = array<i32>} : memref<32768xf32, #tpu.memory_space<vmem>>, vector<16xf32>,
      %scan3A_63 = arith.constant 6 : i32
      %scan3A_64 = arith.addi %scan3A_17, %scan3A_63 : i32
      %mul3A_65 = arith.constant 16 : i32
      %mul3A_66 = arith.muli %scan3A_64, %mul3A_65 : i32
      %add3A_67 = arith.constant 0 : i32
      %add3A_68 = arith.addi %add3A_67, %mul3A_66 : i32
      %swap3A_69 = arith.index_cast %add3A_68 : i32 to index
      %swap3A_70 = tpu.vector_load %arg6[%swap3A_69] {strides = array<i32>} : memref<32768xf32, #tpu.memory_space<vmem>>, vector<16xf32>,
      tpu.vector_store %arg6[%swap3A_69], %broadcast_in_dim3A_5 {strides = array<i32>} : memref<32768xf32, #tpu.memory_space<vmem>>, vector<16xf32>,
      %scan3A_71 = arith.constant 7 : i32
      %scan3A_72 = arith.addi %scan3A_17, %scan3A_71 : i32
      %mul3A_73 = arith.constant 16 : i32
      %mul3A_74 = arith.muli %scan3A_72, %mul3A_73 : i32
      %add3A_75 = arith.constant 0 : i32
      %add3A_76 = arith.addi %add3A_75, %mul3A_74 : i32
      %swap3A_77 = arith.index_cast %add3A_76 : i32 to index
      %swap3A_78 = tpu.vector_load %arg6[%swap3A_77] {strides = array<i32>} : memref<32768xf32, #tpu.memory_space<vmem>>, vector<16xf32>,
      tpu.vector_store %arg6[%swap3A_77], %broadcast_in_dim3A_5 {strides = array<i32>} : memref<32768xf32, #tpu.memory_space<vmem>>, vector<16xf32>,
      %scan3A_79 = arith.constant 8 : i32
      %scan3A_80 = arith.addi %scan3A_17, %scan3A_79 : i32
      %mul3A_81 = arith.constant 16 : i32
      %mul3A_82 = arith.muli %scan3A_80, %mul3A_81 : i32
      %add3A_83 = arith.constant 0 : i32
      %add3A_84 = arith.addi %add3A_83, %mul3A_82 : i32
      %swap3A_85 = arith.index_cast %add3A_84 : i32 to index
      %swap3A_86 = tpu.vector_load %arg6[%swap3A_85] {strides = array<i32>} : memref<32768xf32, #tpu.memory_space<vmem>>, vector<16xf32>,
      tpu.vector_store %arg6[%swap3A_85], %broadcast_in_dim3A_5 {strides = array<i32>} : memref<32768xf32, #tpu.memory_space<vmem>>, vector<16xf32>,
      %scan3A_87 = arith.constant 9 : i32
      %scan3A_88 = arith.addi %scan3A_17, %scan3A_87 : i32
      %mul3A_89 = arith.constant 16 : i32
      %mul3A_90 = arith.muli %scan3A_88, %mul3A_89 : i32
      %add3A_91 = arith.constant 0 : i32
      %add3A_92 = arith.addi %add3A_91, %mul3A_90 : i32
      %swap3A_93 = arith.index_cast %add3A_92 : i32 to index
      %swap3A_94 = tpu.vector_load %arg6[%swap3A_93] {strides = array<i32>} : memref<32768xf32, #tpu.memory_space<vmem>>, vector<16xf32>,
      tpu.vector_store %arg6[%swap3A_93], %broadcast_in_dim3A_5 {strides = array<i32>} : memref<32768xf32, #tpu.memory_space<vmem>>, vector<16xf32>,
      %scan3A_95 = arith.constant 10 : i32
      %scan3A_96 = arith.addi %scan3A_17, %scan3A_95 : i32
      %mul3A_97 = arith.constant 16 : i32
      %mul3A_98 = arith.muli %scan3A_96, %mul3A_97 : i32
      %add3A_99 = arith.constant 0 : i32
      %add3A_100 = arith.addi %add3A_99, %mul3A_98 : i32
      %swap3A_101 = arith.index_cast %add3A_100 : i32 to index
      %swap3A_102 = tpu.vector_load %arg6[%swap3A_101] {strides = array<i32>} : memref<32768xf32, #tpu.memory_space<vmem>>, vector<16xf32>,
      tpu.vector_store %arg6[%swap3A_101], %broadcast_in_dim3A_5 {strides = array<i32>} : memref<32768xf32, #tpu.memory_space<vmem>>, vector<16xf32>,
      %scan3A_103 = arith.constant 11 : i32
      %scan3A_104 = arith.addi %scan3A_17, %scan3A_103 : i32
      %mul3A_105 = arith.constant 16 : i32
      %mul3A_106 = arith.muli %scan3A_104, %mul3A_105 : i32
      %add3A_107 = arith.constant 0 : i32
      %add3A_108 = arith.addi %add3A_107, %mul3A_106 : i32
      %swap3A_109 = arith.index_cast %add3A_108 : i32 to index
      %swap3A_110 = tpu.vector_load %arg6[%swap3A_109] {strides = array<i32>} : memref<32768xf32, #tpu.memory_space<vmem>>, vector<16xf32>,
      tpu.vector_store %arg6[%swap3A_109], %broadcast_in_dim3A_5 {strides = array<i32>} : memref<32768xf32, #tpu.memory_space<vmem>>, vector<16xf32>,
      %scan3A_111 = arith.constant 12 : i32
      %scan3A_112 = arith.addi %scan3A_17, %scan3A_111 : i32
      %mul3A_113 = arith.constant 16 : i32
      %mul3A_114 = arith.muli %scan3A_112, %mul3A_113 : i32
      %add3A_115 = arith.constant 0 : i32
      %add3A_116 = arith.addi %add3A_115, %mul3A_114 : i32
      %swap3A_117 = arith.index_cast %add3A_116 : i32 to index
      %swap3A_118 = tpu.vector_load %arg6[%swap3A_117] {strides = array<i32>} : memref<32768xf32, #tpu.memory_space<vmem>>, vector<16xf32>,
      tpu.vector_store %arg6[%swap3A_117], %broadcast_in_dim3A_5 {strides = array<i32>} : memref<32768xf32, #tpu.memory_space<vmem>>, vector<16xf32>,
      %scan3A_119 = arith.constant 13 : i32
      %scan3A_120 = arith.addi %scan3A_17, %scan3A_119 : i32
      %mul3A_121 = arith.constant 16 : i32
      %mul3A_122 = arith.muli %scan3A_120, %mul3A_121 : i32
      %add3A_123 = arith.constant 0 : i32
      %add3A_124 = arith.addi %add3A_123, %mul3A_122 : i32
      %swap3A_125 = arith.index_cast %add3A_124 : i32 to index
      %swap3A_126 = tpu.vector_load %arg6[%swap3A_125] {strides = array<i32>} : memref<32768xf32, #tpu.memory_space<vmem>>, vector<16xf32>,
      tpu.vector_store %arg6[%swap3A_125], %broadcast_in_dim3A_5 {strides = array<i32>} : memref<32768xf32, #tpu.memory_space<vmem>>, vector<16xf32>,
      %scan3A_127 = arith.constant 14 : i32
      %scan3A_128 = arith.addi %scan3A_17, %scan3A_127 : i32
      %mul3A_129 = arith.constant 16 : i32
      %mul3A_130 = arith.muli %scan3A_128, %mul3A_129 : i32
      %add3A_131 = arith.constant 0 : i32
      %add3A_132 = arith.addi %add3A_131, %mul3A_130 : i32
      %swap3A_133 = arith.index_cast %add3A_132 : i32 to index
      %swap3A_134 = tpu.vector_load %arg6[%swap3A_133] {strides = array<i32>} : memref<32768xf32, #tpu.memory_space<vmem>>, vector<16xf32>,
      tpu.vector_store %arg6[%swap3A_133], %broadcast_in_dim3A_5 {strides = array<i32>} : memref<32768xf32, #tpu.memory_space<vmem>>, vector<16xf32>,
      %scan3A_135 = arith.constant 15 : i32
      %scan3A_136 = arith.addi %scan3A_17, %scan3A_135 : i32
      %mul3A_137 = arith.constant 16 : i32
      %mul3A_138 = arith.muli %scan3A_136, %mul3A_137 : i32
      %add3A_139 = arith.constant 0 : i32
      %add3A_140 = arith.addi %add3A_139, %mul3A_138 : i32
      %swap3A_141 = arith.index_cast %add3A_140 : i32 to index
      %swap3A_142 = tpu.vector_load %arg6[%swap3A_141] {strides = array<i32>} : memref<32768xf32, #tpu.memory_space<vmem>>, vector<16xf32>,
      tpu.vector_store %arg6[%swap3A_141], %broadcast_in_dim3A_5 {strides = array<i32>} : memref<32768xf32, #tpu.memory_space<vmem>>, vector<16xf32>,
    }
    %scan3A_9 = arith.constant 2048 : i32
    "tpu.region"() ({
      %run_scoped3A = tpu.sem_alloc : memref<!tpu.dma_semaphore, #tpu.memory_space<semaphore_mem>>
      %dma_start3A = arith.constant 0 : i32
      %dma_start3A_17 = tpu.memref_slice %arg2[%dma_start3A] : memref<65536xi32, #tpu.memory_space<hbm>> -> memref<32768xi32, #tpu.memory_space<hbm>>
      %dma_start3A_18 = arith.constant 0 : i32
      %dma_start3A_19 = tpu.memref_slice %arg2[%dma_start3A_18] : memref<65536xi32, #tpu.memory_space<hbm>> -> memref<32768xi32, #tpu.memory_space<hbm>>
      tpu.enqueue_dma source(%dma_start3A_19 : memref<32768xi32, #tpu.memory_space<hbm>>) target(%arg4 : memref<32768xi32, #tpu.memory_space<vmem>>) target_semaphore(%run_scoped3A : memref<!tpu.dma_semaphore, #tpu.memory_space<semaphore_mem>>)
      %dma_wait3A = arith.constant 0 : i32
      %dma_wait3A_20 = tpu.memref_slice %arg2[%dma_wait3A] : memref<65536xi32, #tpu.memory_space<hbm>> -> memref<32768xi32, #tpu.memory_space<hbm>>
      %dma_wait3A_21 = arith.constant 0 : i32
      %dma_wait3A_22 = tpu.memref_slice %arg2[%dma_wait3A_21] : memref<65536xi32, #tpu.memory_space<hbm>> -> memref<32768xi32, #tpu.memory_space<hbm>>
      tpu.wait_dma2 semaphore(%run_scoped3A : memref<!tpu.dma_semaphore, #tpu.memory_space<semaphore_mem>>) src(%dma_wait3A_22 : memref<32768xi32, #tpu.memory_space<hbm>>) dst(%arg4 : memref<32768xi32, #tpu.memory_space<vmem>>)
      tpu.yield
    }) : () -> ()
    "tpu.region"() ({
      %run_scoped3A = tpu.sem_alloc : memref<!tpu.dma_semaphore, #tpu.memory_space<semaphore_mem>>
      %dma_start3A = arith.constant 32768 : i32
      %dma_start3A_17 = tpu.memref_slice %arg2[%dma_start3A] : memref<65536xi32, #tpu.memory_space<hbm>> -> memref<32768xi32, #tpu.memory_space<hbm>>
      %dma_start3A_18 = arith.constant 32768 : i32
      %dma_start3A_19 = tpu.memref_slice %arg2[%dma_start3A_18] : memref<65536xi32, #tpu.memory_space<hbm>> -> memref<32768xi32, #tpu.memory_space<hbm>>
      tpu.enqueue_dma source(%dma_start3A_19 : memref<32768xi32, #tpu.memory_space<hbm>>) target(%arg5 : memref<32768xi32, #tpu.memory_space<vmem>>) target_semaphore(%run_scoped3A : memref<!tpu.dma_semaphore, #tpu.memory_space<semaphore_mem>>)
      %dma_wait3A = arith.constant 32768 : i32
      %dma_wait3A_20 = tpu.memref_slice %arg2[%dma_wait3A] : memref<65536xi32, #tpu.memory_space<hbm>> -> memref<32768xi32, #tpu.memory_space<hbm>>
      %dma_wait3A_21 = arith.constant 32768 : i32
      %dma_wait3A_22 = tpu.memref_slice %arg2[%dma_wait3A_21] : memref<65536xi32, #tpu.memory_space<hbm>> -> memref<32768xi32, #tpu.memory_space<hbm>>
      tpu.wait_dma2 semaphore(%run_scoped3A : memref<!tpu.dma_semaphore, #tpu.memory_space<semaphore_mem>>) src(%dma_wait3A_22 : memref<32768xi32, #tpu.memory_space<hbm>>) dst(%arg5 : memref<32768xi32, #tpu.memory_space<vmem>>)
      tpu.yield
    }) : () -> ()
    %scan3A_10 = arith.constant 0 : i32
    %scan3A_11 = arith.constant 2048 : i32
    %scan3A_12 = arith.addi %scan3A_10, %scan3A_11 : i32
    %scan3A_13 = arith.constant 8 : i32
    scf.for %scan3A_17 = %scan3A_10 to %scan3A_12 step %scan3A_13  : i32 {
      %mul3A_18 = arith.constant 16 : i32
      %mul3A_19 = arith.muli %scan3A_17, %mul3A_18 : i32
      %add3A_20 = arith.constant 0 : i32
      %add3A_21 = arith.addi %add3A_20, %mul3A_19 : i32
      %get3A = arith.index_cast %add3A_21 : i32 to index
      %get3A_22 = tpu.vector_load %arg4[%get3A] {strides = array<i32>} : memref<32768xi32, #tpu.memory_space<vmem>>, vector<16xi32>,
      %get3A_23 = arith.index_cast %add3A_21 : i32 to index
      %get3A_24 = tpu.vector_load %arg5[%get3A_23] {strides = array<i32>} : memref<32768xi32, #tpu.memory_space<vmem>>, vector<16xi32>,
      %sub3A = vector.broadcast %mul3A_2 : i32 to vector<16xi32>
      %sub3A_25 = arith.subi %get3A_24, %sub3A : vector<16xi32>
      %ge3A = arith.constant 0 : i32
      %ge3A_26 = vector.broadcast %ge3A : i32 to vector<16xi32>
      %ge3A_27 = arith.cmpi sge, %sub3A_25, %ge3A_26 : vector<16xi32>
      %lt3A = arith.constant 32 : i32
      %lt3A_28 = vector.broadcast %lt3A : i32 to vector<16xi32>
      %lt3A_29 = arith.cmpi slt, %sub3A_25, %lt3A_28 : vector<16xi32>
      %and3A = arith.andi %ge3A_27, %lt3A_29 : vector<16xi1>
      %mul3A_30 = arith.constant 1024 : i32
      %mul3A_31 = vector.broadcast %mul3A_30 : i32 to vector<16xi32>
      %mul3A_32 = arith.muli %sub3A_25, %mul3A_31 : vector<16xi32>
      %add3A_33 = arith.addi %mul3A_32, %get3A_22 : vector<16xi32>
      %jit3A = arith.constant 0 : i32
      %broadcast_in_dim3A_34 = vector.broadcast %jit3A : i32 to vector<16xi32>
      %select_n3A = arith.select %and3A, %add3A_33, %broadcast_in_dim3A_34 : vector<16xi1>, vector<16xi32>
      tpu.vector_store_idx %arg6[%select_n3A], %broadcast_in_dim3A_3 masked %and3A {add = true} : memref<32768xf32, #tpu.memory_space<vmem>>[vector<16xi32>], vector<16xf32>, vector<16xi1>
      %scan3A_35 = arith.constant 1 : i32
      %scan3A_36 = arith.addi %scan3A_17, %scan3A_35 : i32
      %mul3A_37 = arith.constant 16 : i32
      %mul3A_38 = arith.muli %scan3A_36, %mul3A_37 : i32
      %add3A_39 = arith.constant 0 : i32
      %add3A_40 = arith.addi %add3A_39, %mul3A_38 : i32
      %get3A_41 = arith.index_cast %add3A_40 : i32 to index
      %get3A_42 = tpu.vector_load %arg4[%get3A_41] {strides = array<i32>} : memref<32768xi32, #tpu.memory_space<vmem>>, vector<16xi32>,
      %get3A_43 = arith.index_cast %add3A_40 : i32 to index
      %get3A_44 = tpu.vector_load %arg5[%get3A_43] {strides = array<i32>} : memref<32768xi32, #tpu.memory_space<vmem>>, vector<16xi32>,
      %sub3A_45 = vector.broadcast %mul3A_2 : i32 to vector<16xi32>
      %sub3A_46 = arith.subi %get3A_44, %sub3A_45 : vector<16xi32>
      %ge3A_47 = arith.constant 0 : i32
      %ge3A_48 = vector.broadcast %ge3A_47 : i32 to vector<16xi32>
      %ge3A_49 = arith.cmpi sge, %sub3A_46, %ge3A_48 : vector<16xi32>
      %lt3A_50 = arith.constant 32 : i32
      %lt3A_51 = vector.broadcast %lt3A_50 : i32 to vector<16xi32>
      %lt3A_52 = arith.cmpi slt, %sub3A_46, %lt3A_51 : vector<16xi32>
      %and3A_53 = arith.andi %ge3A_49, %lt3A_52 : vector<16xi1>
      %mul3A_54 = arith.constant 1024 : i32
      %mul3A_55 = vector.broadcast %mul3A_54 : i32 to vector<16xi32>
      %mul3A_56 = arith.muli %sub3A_46, %mul3A_55 : vector<16xi32>
      %add3A_57 = arith.addi %mul3A_56, %get3A_42 : vector<16xi32>
      %jit3A_58 = arith.constant 0 : i32
      %broadcast_in_dim3A_59 = vector.broadcast %jit3A_58 : i32 to vector<16xi32>
      %select_n3A_60 = arith.select %and3A_53, %add3A_57, %broadcast_in_dim3A_59 : vector<16xi1>, vector<16xi32>
      tpu.vector_store_idx %arg6[%select_n3A_60], %broadcast_in_dim3A_3 masked %and3A_53 {add = true} : memref<32768xf32, #tpu.memory_space<vmem>>[vector<16xi32>], vector<16xf32>, vector<16xi1>
      %scan3A_61 = arith.constant 2 : i32
      %scan3A_62 = arith.addi %scan3A_17, %scan3A_61 : i32
      %mul3A_63 = arith.constant 16 : i32
      %mul3A_64 = arith.muli %scan3A_62, %mul3A_63 : i32
      %add3A_65 = arith.constant 0 : i32
      %add3A_66 = arith.addi %add3A_65, %mul3A_64 : i32
      %get3A_67 = arith.index_cast %add3A_66 : i32 to index
      %get3A_68 = tpu.vector_load %arg4[%get3A_67] {strides = array<i32>} : memref<32768xi32, #tpu.memory_space<vmem>>, vector<16xi32>,
      %get3A_69 = arith.index_cast %add3A_66 : i32 to index
      %get3A_70 = tpu.vector_load %arg5[%get3A_69] {strides = array<i32>} : memref<32768xi32, #tpu.memory_space<vmem>>, vector<16xi32>,
      %sub3A_71 = vector.broadcast %mul3A_2 : i32 to vector<16xi32>
      %sub3A_72 = arith.subi %get3A_70, %sub3A_71 : vector<16xi32>
      %ge3A_73 = arith.constant 0 : i32
      %ge3A_74 = vector.broadcast %ge3A_73 : i32 to vector<16xi32>
      %ge3A_75 = arith.cmpi sge, %sub3A_72, %ge3A_74 : vector<16xi32>
      %lt3A_76 = arith.constant 32 : i32
      %lt3A_77 = vector.broadcast %lt3A_76 : i32 to vector<16xi32>
      %lt3A_78 = arith.cmpi slt, %sub3A_72, %lt3A_77 : vector<16xi32>
      %and3A_79 = arith.andi %ge3A_75, %lt3A_78 : vector<16xi1>
      %mul3A_80 = arith.constant 1024 : i32
      %mul3A_81 = vector.broadcast %mul3A_80 : i32 to vector<16xi32>
      %mul3A_82 = arith.muli %sub3A_72, %mul3A_81 : vector<16xi32>
      %add3A_83 = arith.addi %mul3A_82, %get3A_68 : vector<16xi32>
      %jit3A_84 = arith.constant 0 : i32
      %broadcast_in_dim3A_85 = vector.broadcast %jit3A_84 : i32 to vector<16xi32>
      %select_n3A_86 = arith.select %and3A_79, %add3A_83, %broadcast_in_dim3A_85 : vector<16xi1>, vector<16xi32>
      tpu.vector_store_idx %arg6[%select_n3A_86], %broadcast_in_dim3A_3 masked %and3A_79 {add = true} : memref<32768xf32, #tpu.memory_space<vmem>>[vector<16xi32>], vector<16xf32>, vector<16xi1>
      %scan3A_87 = arith.constant 3 : i32
      %scan3A_88 = arith.addi %scan3A_17, %scan3A_87 : i32
      %mul3A_89 = arith.constant 16 : i32
      %mul3A_90 = arith.muli %scan3A_88, %mul3A_89 : i32
      %add3A_91 = arith.constant 0 : i32
      %add3A_92 = arith.addi %add3A_91, %mul3A_90 : i32
      %get3A_93 = arith.index_cast %add3A_92 : i32 to index
      %get3A_94 = tpu.vector_load %arg4[%get3A_93] {strides = array<i32>} : memref<32768xi32, #tpu.memory_space<vmem>>, vector<16xi32>,
      %get3A_95 = arith.index_cast %add3A_92 : i32 to index
      %get3A_96 = tpu.vector_load %arg5[%get3A_95] {strides = array<i32>} : memref<32768xi32, #tpu.memory_space<vmem>>, vector<16xi32>,
      %sub3A_97 = vector.broadcast %mul3A_2 : i32 to vector<16xi32>
      %sub3A_98 = arith.subi %get3A_96, %sub3A_97 : vector<16xi32>
      %ge3A_99 = arith.constant 0 : i32
      %ge3A_100 = vector.broadcast %ge3A_99 : i32 to vector<16xi32>
      %ge3A_101 = arith.cmpi sge, %sub3A_98, %ge3A_100 : vector<16xi32>
      %lt3A_102 = arith.constant 32 : i32
      %lt3A_103 = vector.broadcast %lt3A_102 : i32 to vector<16xi32>
      %lt3A_104 = arith.cmpi slt, %sub3A_98, %lt3A_103 : vector<16xi32>
      %and3A_105 = arith.andi %ge3A_101, %lt3A_104 : vector<16xi1>
      %mul3A_106 = arith.constant 1024 : i32
      %mul3A_107 = vector.broadcast %mul3A_106 : i32 to vector<16xi32>
      %mul3A_108 = arith.muli %sub3A_98, %mul3A_107 : vector<16xi32>
      %add3A_109 = arith.addi %mul3A_108, %get3A_94 : vector<16xi32>
      %jit3A_110 = arith.constant 0 : i32
      %broadcast_in_dim3A_111 = vector.broadcast %jit3A_110 : i32 to vector<16xi32>
      %select_n3A_112 = arith.select %and3A_105, %add3A_109, %broadcast_in_dim3A_111 : vector<16xi1>, vector<16xi32>
      tpu.vector_store_idx %arg6[%select_n3A_112], %broadcast_in_dim3A_3 masked %and3A_105 {add = true} : memref<32768xf32, #tpu.memory_space<vmem>>[vector<16xi32>], vector<16xf32>, vector<16xi1>
      %scan3A_113 = arith.constant 4 : i32
      %scan3A_114 = arith.addi %scan3A_17, %scan3A_113 : i32
      %mul3A_115 = arith.constant 16 : i32
      %mul3A_116 = arith.muli %scan3A_114, %mul3A_115 : i32
      %add3A_117 = arith.constant 0 : i32
      %add3A_118 = arith.addi %add3A_117, %mul3A_116 : i32
      %get3A_119 = arith.index_cast %add3A_118 : i32 to index
      %get3A_120 = tpu.vector_load %arg4[%get3A_119] {strides = array<i32>} : memref<32768xi32, #tpu.memory_space<vmem>>, vector<16xi32>,
      %get3A_121 = arith.index_cast %add3A_118 : i32 to index
      %get3A_122 = tpu.vector_load %arg5[%get3A_121] {strides = array<i32>} : memref<32768xi32, #tpu.memory_space<vmem>>, vector<16xi32>,
      %sub3A_123 = vector.broadcast %mul3A_2 : i32 to vector<16xi32>
      %sub3A_124 = arith.subi %get3A_122, %sub3A_123 : vector<16xi32>
      %ge3A_125 = arith.constant 0 : i32
      %ge3A_126 = vector.broadcast %ge3A_125 : i32 to vector<16xi32>
      %ge3A_127 = arith.cmpi sge, %sub3A_124, %ge3A_126 : vector<16xi32>
      %lt3A_128 = arith.constant 32 : i32
      %lt3A_129 = vector.broadcast %lt3A_128 : i32 to vector<16xi32>
      %lt3A_130 = arith.cmpi slt, %sub3A_124, %lt3A_129 : vector<16xi32>
      %and3A_131 = arith.andi %ge3A_127, %lt3A_130 : vector<16xi1>
      %mul3A_132 = arith.constant 1024 : i32
      %mul3A_133 = vector.broadcast %mul3A_132 : i32 to vector<16xi32>
      %mul3A_134 = arith.muli %sub3A_124, %mul3A_133 : vector<16xi32>
      %add3A_135 = arith.addi %mul3A_134, %get3A_120 : vector<16xi32>
      %jit3A_136 = arith.constant 0 : i32
      %broadcast_in_dim3A_137 = vector.broadcast %jit3A_136 : i32 to vector<16xi32>
      %select_n3A_138 = arith.select %and3A_131, %add3A_135, %broadcast_in_dim3A_137 : vector<16xi1>, vector<16xi32>
      tpu.vector_store_idx %arg6[%select_n3A_138], %broadcast_in_dim3A_3 masked %and3A_131 {add = true} : memref<32768xf32, #tpu.memory_space<vmem>>[vector<16xi32>], vector<16xf32>, vector<16xi1>
      %scan3A_139 = arith.constant 5 : i32
      %scan3A_140 = arith.addi %scan3A_17, %scan3A_139 : i32
      %mul3A_141 = arith.constant 16 : i32
      %mul3A_142 = arith.muli %scan3A_140, %mul3A_141 : i32
      %add3A_143 = arith.constant 0 : i32
      %add3A_144 = arith.addi %add3A_143, %mul3A_142 : i32
      %get3A_145 = arith.index_cast %add3A_144 : i32 to index
      %get3A_146 = tpu.vector_load %arg4[%get3A_145] {strides = array<i32>} : memref<32768xi32, #tpu.memory_space<vmem>>, vector<16xi32>,
      %get3A_147 = arith.index_cast %add3A_144 : i32 to index
      %get3A_148 = tpu.vector_load %arg5[%get3A_147] {strides = array<i32>} : memref<32768xi32, #tpu.memory_space<vmem>>, vector<16xi32>,
      %sub3A_149 = vector.broadcast %mul3A_2 : i32 to vector<16xi32>
      %sub3A_150 = arith.subi %get3A_148, %sub3A_149 : vector<16xi32>
      %ge3A_151 = arith.constant 0 : i32
      %ge3A_152 = vector.broadcast %ge3A_151 : i32 to vector<16xi32>
      %ge3A_153 = arith.cmpi sge, %sub3A_150, %ge3A_152 : vector<16xi32>
      %lt3A_154 = arith.constant 32 : i32
      %lt3A_155 = vector.broadcast %lt3A_154 : i32 to vector<16xi32>
      %lt3A_156 = arith.cmpi slt, %sub3A_150, %lt3A_155 : vector<16xi32>
      %and3A_157 = arith.andi %ge3A_153, %lt3A_156 : vector<16xi1>
      %mul3A_158 = arith.constant 1024 : i32
      %mul3A_159 = vector.broadcast %mul3A_158 : i32 to vector<16xi32>
      %mul3A_160 = arith.muli %sub3A_150, %mul3A_159 : vector<16xi32>
      %add3A_161 = arith.addi %mul3A_160, %get3A_146 : vector<16xi32>
      %jit3A_162 = arith.constant 0 : i32
      %broadcast_in_dim3A_163 = vector.broadcast %jit3A_162 : i32 to vector<16xi32>
      %select_n3A_164 = arith.select %and3A_157, %add3A_161, %broadcast_in_dim3A_163 : vector<16xi1>, vector<16xi32>
      tpu.vector_store_idx %arg6[%select_n3A_164], %broadcast_in_dim3A_3 masked %and3A_157 {add = true} : memref<32768xf32, #tpu.memory_space<vmem>>[vector<16xi32>], vector<16xf32>, vector<16xi1>
      %scan3A_165 = arith.constant 6 : i32
      %scan3A_166 = arith.addi %scan3A_17, %scan3A_165 : i32
      %mul3A_167 = arith.constant 16 : i32
      %mul3A_168 = arith.muli %scan3A_166, %mul3A_167 : i32
      %add3A_169 = arith.constant 0 : i32
      %add3A_170 = arith.addi %add3A_169, %mul3A_168 : i32
      %get3A_171 = arith.index_cast %add3A_170 : i32 to index
      %get3A_172 = tpu.vector_load %arg4[%get3A_171] {strides = array<i32>} : memref<32768xi32, #tpu.memory_space<vmem>>, vector<16xi32>,
      %get3A_173 = arith.index_cast %add3A_170 : i32 to index
      %get3A_174 = tpu.vector_load %arg5[%get3A_173] {strides = array<i32>} : memref<32768xi32, #tpu.memory_space<vmem>>, vector<16xi32>,
      %sub3A_175 = vector.broadcast %mul3A_2 : i32 to vector<16xi32>
      %sub3A_176 = arith.subi %get3A_174, %sub3A_175 : vector<16xi32>
      %ge3A_177 = arith.constant 0 : i32
      %ge3A_178 = vector.broadcast %ge3A_177 : i32 to vector<16xi32>
      %ge3A_179 = arith.cmpi sge, %sub3A_176, %ge3A_178 : vector<16xi32>
      %lt3A_180 = arith.constant 32 : i32
      %lt3A_181 = vector.broadcast %lt3A_180 : i32 to vector<16xi32>
      %lt3A_182 = arith.cmpi slt, %sub3A_176, %lt3A_181 : vector<16xi32>
      %and3A_183 = arith.andi %ge3A_179, %lt3A_182 : vector<16xi1>
      %mul3A_184 = arith.constant 1024 : i32
      %mul3A_185 = vector.broadcast %mul3A_184 : i32 to vector<16xi32>
      %mul3A_186 = arith.muli %sub3A_176, %mul3A_185 : vector<16xi32>
      %add3A_187 = arith.addi %mul3A_186, %get3A_172 : vector<16xi32>
      %jit3A_188 = arith.constant 0 : i32
      %broadcast_in_dim3A_189 = vector.broadcast %jit3A_188 : i32 to vector<16xi32>
      %select_n3A_190 = arith.select %and3A_183, %add3A_187, %broadcast_in_dim3A_189 : vector<16xi1>, vector<16xi32>
      tpu.vector_store_idx %arg6[%select_n3A_190], %broadcast_in_dim3A_3 masked %and3A_183 {add = true} : memref<32768xf32, #tpu.memory_space<vmem>>[vector<16xi32>], vector<16xf32>, vector<16xi1>
      %scan3A_191 = arith.constant 7 : i32
      %scan3A_192 = arith.addi %scan3A_17, %scan3A_191 : i32
      %mul3A_193 = arith.constant 16 : i32
      %mul3A_194 = arith.muli %scan3A_192, %mul3A_193 : i32
      %add3A_195 = arith.constant 0 : i32
      %add3A_196 = arith.addi %add3A_195, %mul3A_194 : i32
      %get3A_197 = arith.index_cast %add3A_196 : i32 to index
      %get3A_198 = tpu.vector_load %arg4[%get3A_197] {strides = array<i32>} : memref<32768xi32, #tpu.memory_space<vmem>>, vector<16xi32>,
      %get3A_199 = arith.index_cast %add3A_196 : i32 to index
      %get3A_200 = tpu.vector_load %arg5[%get3A_199] {strides = array<i32>} : memref<32768xi32, #tpu.memory_space<vmem>>, vector<16xi32>,
      %sub3A_201 = vector.broadcast %mul3A_2 : i32 to vector<16xi32>
      %sub3A_202 = arith.subi %get3A_200, %sub3A_201 : vector<16xi32>
      %ge3A_203 = arith.constant 0 : i32
      %ge3A_204 = vector.broadcast %ge3A_203 : i32 to vector<16xi32>
      %ge3A_205 = arith.cmpi sge, %sub3A_202, %ge3A_204 : vector<16xi32>
      %lt3A_206 = arith.constant 32 : i32
      %lt3A_207 = vector.broadcast %lt3A_206 : i32 to vector<16xi32>
      %lt3A_208 = arith.cmpi slt, %sub3A_202, %lt3A_207 : vector<16xi32>
      %and3A_209 = arith.andi %ge3A_205, %lt3A_208 : vector<16xi1>
      %mul3A_210 = arith.constant 1024 : i32
      %mul3A_211 = vector.broadcast %mul3A_210 : i32 to vector<16xi32>
      %mul3A_212 = arith.muli %sub3A_202, %mul3A_211 : vector<16xi32>
      %add3A_213 = arith.addi %mul3A_212, %get3A_198 : vector<16xi32>
      %jit3A_214 = arith.constant 0 : i32
      %broadcast_in_dim3A_215 = vector.broadcast %jit3A_214 : i32 to vector<16xi32>
      %select_n3A_216 = arith.select %and3A_209, %add3A_213, %broadcast_in_dim3A_215 : vector<16xi1>, vector<16xi32>
      tpu.vector_store_idx %arg6[%select_n3A_216], %broadcast_in_dim3A_3 masked %and3A_209 {add = true} : memref<32768xf32, #tpu.memory_space<vmem>>[vector<16xi32>], vector<16xf32>, vector<16xi1>
    }
    %scan3A_14 = arith.constant 2048 : i32
    %mul3A_15 = arith.constant 1024 : i32
    %mul3A_16 = arith.muli %mul3A_2, %mul3A_15 : i32
    "tpu.region"() ({
      %run_scoped3A = tpu.sem_alloc : memref<!tpu.dma_semaphore, #tpu.memory_space<semaphore_mem>>
      %dma_start3A = tpu.memref_slice %arg3[%mul3A_16] : memref<1048576xf32, #tpu.memory_space<hbm>> -> memref<32768xf32, #tpu.memory_space<hbm>>
      %dma_start3A_17 = tpu.memref_slice %arg3[%mul3A_16] : memref<1048576xf32, #tpu.memory_space<hbm>> -> memref<32768xf32, #tpu.memory_space<hbm>>
      tpu.enqueue_dma source(%arg6 : memref<32768xf32, #tpu.memory_space<vmem>>) target(%dma_start3A_17 : memref<32768xf32, #tpu.memory_space<hbm>>) target_semaphore(%run_scoped3A : memref<!tpu.dma_semaphore, #tpu.memory_space<semaphore_mem>>)
      %dma_wait3A = tpu.memref_slice %arg3[%mul3A_16] : memref<1048576xf32, #tpu.memory_space<hbm>> -> memref<32768xf32, #tpu.memory_space<hbm>>
      %dma_wait3A_18 = tpu.memref_slice %arg3[%mul3A_16] : memref<1048576xf32, #tpu.memory_space<hbm>> -> memref<32768xf32, #tpu.memory_space<hbm>>
      tpu.wait_dma2 semaphore(%run_scoped3A : memref<!tpu.dma_semaphore, #tpu.memory_space<semaphore_mem>>) src(%arg6 : memref<32768xf32, #tpu.memory_space<vmem>>) dst(%dma_wait3A_18 : memref<32768xf32, #tpu.memory_space<hbm>>)
      tpu.yield
    }) : () -> ()
    return
  }
}

#map = affine_map<(d0, d1) -> (0)>
module attributes {stable_mosaic.version = 14 : i64} {
  func.func @sc_kernel(%arg0: i32, %arg1: i32, %arg2: memref<65536xi32, #tpu.memory_space<hbm>>, %arg3: memref<1048576xf32, #tpu.memory_space<hbm>>, %arg4: memref<32768xi32, #tpu.memory_space<vmem>>, %arg5: memref<32768xi32, #tpu.memory_space<vmem>>, %arg6: memref<32768xf32, #tpu.memory_space<vmem>>) attributes {dimension_semantics = [#tpu.dimension_semantics<core_parallel>, #tpu.dimension_semantics<subcore_parallel>], iteration_bounds = array<i64: 2, 16>, scalar_prefetch = 0 : i64, scratch_operands = 3 : i64, tpu.core_type = #tpu.core_type<sc_vector_subcore>, window_params = [{transform_indices = #map}, {transform_indices = #map}]} {
    %mul3A = arith.constant 2 : i32
    %mul3A_0 = arith.muli %arg1, %mul3A : i32
    %add3A = arith.addi %mul3A_0, %arg0 : i32
    %mul3A_1 = arith.constant 32 : i32
    %mul3A_2 = arith.muli %add3A, %mul3A_1 : i32
    %broadcast_in_dim3A = arith.constant 1.000000e+00 : f32
    %broadcast_in_dim3A_3 = vector.broadcast %broadcast_in_dim3A : f32 to vector<16xf32>
    %broadcast_in_dim3A_4 = arith.constant 0.000000e+00 : f32
    %broadcast_in_dim3A_5 = vector.broadcast %broadcast_in_dim3A_4 : f32 to vector<16xf32>
    %scan3A = arith.constant 0 : i32
    %scan3A_6 = arith.constant 2048 : i32
    %scan3A_7 = arith.addi %scan3A, %scan3A_6 : i32
    %scan3A_8 = arith.constant 16 : i32
    scf.for %scan3A_17 = %scan3A to %scan3A_7 step %scan3A_8  : i32 {
      %mul3A_18 = arith.constant 16 : i32
      %mul3A_19 = arith.muli %scan3A_17, %mul3A_18 : i32
      %add3A_20 = arith.constant 0 : i32
      %add3A_21 = arith.addi %add3A_20, %mul3A_19 : i32
      %swap3A = arith.index_cast %add3A_21 : i32 to index
      %swap3A_22 = tpu.vector_load %arg6[%swap3A] {strides = array<i32>} : memref<32768xf32, #tpu.memory_space<vmem>>, vector<16xf32>,
      tpu.vector_store %arg6[%swap3A], %broadcast_in_dim3A_5 {strides = array<i32>} : memref<32768xf32, #tpu.memory_space<vmem>>, vector<16xf32>,
      %scan3A_23 = arith.constant 1 : i32
      %scan3A_24 = arith.addi %scan3A_17, %scan3A_23 : i32
      %mul3A_25 = arith.constant 16 : i32
      %mul3A_26 = arith.muli %scan3A_24, %mul3A_25 : i32
      %add3A_27 = arith.constant 0 : i32
      %add3A_28 = arith.addi %add3A_27, %mul3A_26 : i32
      %swap3A_29 = arith.index_cast %add3A_28 : i32 to index
      %swap3A_30 = tpu.vector_load %arg6[%swap3A_29] {strides = array<i32>} : memref<32768xf32, #tpu.memory_space<vmem>>, vector<16xf32>,
      tpu.vector_store %arg6[%swap3A_29], %broadcast_in_dim3A_5 {strides = array<i32>} : memref<32768xf32, #tpu.memory_space<vmem>>, vector<16xf32>,
      %scan3A_31 = arith.constant 2 : i32
      %scan3A_32 = arith.addi %scan3A_17, %scan3A_31 : i32
      %mul3A_33 = arith.constant 16 : i32
      %mul3A_34 = arith.muli %scan3A_32, %mul3A_33 : i32
      %add3A_35 = arith.constant 0 : i32
      %add3A_36 = arith.addi %add3A_35, %mul3A_34 : i32
      %swap3A_37 = arith.index_cast %add3A_36 : i32 to index
      %swap3A_38 = tpu.vector_load %arg6[%swap3A_37] {strides = array<i32>} : memref<32768xf32, #tpu.memory_space<vmem>>, vector<16xf32>,
      tpu.vector_store %arg6[%swap3A_37], %broadcast_in_dim3A_5 {strides = array<i32>} : memref<32768xf32, #tpu.memory_space<vmem>>, vector<16xf32>,
      %scan3A_39 = arith.constant 3 : i32
      %scan3A_40 = arith.addi %scan3A_17, %scan3A_39 : i32
      %mul3A_41 = arith.constant 16 : i32
      %mul3A_42 = arith.muli %scan3A_40, %mul3A_41 : i32
      %add3A_43 = arith.constant 0 : i32
      %add3A_44 = arith.addi %add3A_43, %mul3A_42 : i32
      %swap3A_45 = arith.index_cast %add3A_44 : i32 to index
      %swap3A_46 = tpu.vector_load %arg6[%swap3A_45] {strides = array<i32>} : memref<32768xf32, #tpu.memory_space<vmem>>, vector<16xf32>,
      tpu.vector_store %arg6[%swap3A_45], %broadcast_in_dim3A_5 {strides = array<i32>} : memref<32768xf32, #tpu.memory_space<vmem>>, vector<16xf32>,
      %scan3A_47 = arith.constant 4 : i32
      %scan3A_48 = arith.addi %scan3A_17, %scan3A_47 : i32
      %mul3A_49 = arith.constant 16 : i32
      %mul3A_50 = arith.muli %scan3A_48, %mul3A_49 : i32
      %add3A_51 = arith.constant 0 : i32
      %add3A_52 = arith.addi %add3A_51, %mul3A_50 : i32
      %swap3A_53 = arith.index_cast %add3A_52 : i32 to index
      %swap3A_54 = tpu.vector_load %arg6[%swap3A_53] {strides = array<i32>} : memref<32768xf32, #tpu.memory_space<vmem>>, vector<16xf32>,
      tpu.vector_store %arg6[%swap3A_53], %broadcast_in_dim3A_5 {strides = array<i32>} : memref<32768xf32, #tpu.memory_space<vmem>>, vector<16xf32>,
      %scan3A_55 = arith.constant 5 : i32
      %scan3A_56 = arith.addi %scan3A_17, %scan3A_55 : i32
      %mul3A_57 = arith.constant 16 : i32
      %mul3A_58 = arith.muli %scan3A_56, %mul3A_57 : i32
      %add3A_59 = arith.constant 0 : i32
      %add3A_60 = arith.addi %add3A_59, %mul3A_58 : i32
      %swap3A_61 = arith.index_cast %add3A_60 : i32 to index
      %swap3A_62 = tpu.vector_load %arg6[%swap3A_61] {strides = array<i32>} : memref<32768xf32, #tpu.memory_space<vmem>>, vector<16xf32>,
      tpu.vector_store %arg6[%swap3A_61], %broadcast_in_dim3A_5 {strides = array<i32>} : memref<32768xf32, #tpu.memory_space<vmem>>, vector<16xf32>,
      %scan3A_63 = arith.constant 6 : i32
      %scan3A_64 = arith.addi %scan3A_17, %scan3A_63 : i32
      %mul3A_65 = arith.constant 16 : i32
      %mul3A_66 = arith.muli %scan3A_64, %mul3A_65 : i32
      %add3A_67 = arith.constant 0 : i32
      %add3A_68 = arith.addi %add3A_67, %mul3A_66 : i32
      %swap3A_69 = arith.index_cast %add3A_68 : i32 to index
      %swap3A_70 = tpu.vector_load %arg6[%swap3A_69] {strides = array<i32>} : memref<32768xf32, #tpu.memory_space<vmem>>, vector<16xf32>,
      tpu.vector_store %arg6[%swap3A_69], %broadcast_in_dim3A_5 {strides = array<i32>} : memref<32768xf32, #tpu.memory_space<vmem>>, vector<16xf32>,
      %scan3A_71 = arith.constant 7 : i32
      %scan3A_72 = arith.addi %scan3A_17, %scan3A_71 : i32
      %mul3A_73 = arith.constant 16 : i32
      %mul3A_74 = arith.muli %scan3A_72, %mul3A_73 : i32
      %add3A_75 = arith.constant 0 : i32
      %add3A_76 = arith.addi %add3A_75, %mul3A_74 : i32
      %swap3A_77 = arith.index_cast %add3A_76 : i32 to index
      %swap3A_78 = tpu.vector_load %arg6[%swap3A_77] {strides = array<i32>} : memref<32768xf32, #tpu.memory_space<vmem>>, vector<16xf32>,
      tpu.vector_store %arg6[%swap3A_77], %broadcast_in_dim3A_5 {strides = array<i32>} : memref<32768xf32, #tpu.memory_space<vmem>>, vector<16xf32>,
      %scan3A_79 = arith.constant 8 : i32
      %scan3A_80 = arith.addi %scan3A_17, %scan3A_79 : i32
      %mul3A_81 = arith.constant 16 : i32
      %mul3A_82 = arith.muli %scan3A_80, %mul3A_81 : i32
      %add3A_83 = arith.constant 0 : i32
      %add3A_84 = arith.addi %add3A_83, %mul3A_82 : i32
      %swap3A_85 = arith.index_cast %add3A_84 : i32 to index
      %swap3A_86 = tpu.vector_load %arg6[%swap3A_85] {strides = array<i32>} : memref<32768xf32, #tpu.memory_space<vmem>>, vector<16xf32>,
      tpu.vector_store %arg6[%swap3A_85], %broadcast_in_dim3A_5 {strides = array<i32>} : memref<32768xf32, #tpu.memory_space<vmem>>, vector<16xf32>,
      %scan3A_87 = arith.constant 9 : i32
      %scan3A_88 = arith.addi %scan3A_17, %scan3A_87 : i32
      %mul3A_89 = arith.constant 16 : i32
      %mul3A_90 = arith.muli %scan3A_88, %mul3A_89 : i32
      %add3A_91 = arith.constant 0 : i32
      %add3A_92 = arith.addi %add3A_91, %mul3A_90 : i32
      %swap3A_93 = arith.index_cast %add3A_92 : i32 to index
      %swap3A_94 = tpu.vector_load %arg6[%swap3A_93] {strides = array<i32>} : memref<32768xf32, #tpu.memory_space<vmem>>, vector<16xf32>,
      tpu.vector_store %arg6[%swap3A_93], %broadcast_in_dim3A_5 {strides = array<i32>} : memref<32768xf32, #tpu.memory_space<vmem>>, vector<16xf32>,
      %scan3A_95 = arith.constant 10 : i32
      %scan3A_96 = arith.addi %scan3A_17, %scan3A_95 : i32
      %mul3A_97 = arith.constant 16 : i32
      %mul3A_98 = arith.muli %scan3A_96, %mul3A_97 : i32
      %add3A_99 = arith.constant 0 : i32
      %add3A_100 = arith.addi %add3A_99, %mul3A_98 : i32
      %swap3A_101 = arith.index_cast %add3A_100 : i32 to index
      %swap3A_102 = tpu.vector_load %arg6[%swap3A_101] {strides = array<i32>} : memref<32768xf32, #tpu.memory_space<vmem>>, vector<16xf32>,
      tpu.vector_store %arg6[%swap3A_101], %broadcast_in_dim3A_5 {strides = array<i32>} : memref<32768xf32, #tpu.memory_space<vmem>>, vector<16xf32>,
      %scan3A_103 = arith.constant 11 : i32
      %scan3A_104 = arith.addi %scan3A_17, %scan3A_103 : i32
      %mul3A_105 = arith.constant 16 : i32
      %mul3A_106 = arith.muli %scan3A_104, %mul3A_105 : i32
      %add3A_107 = arith.constant 0 : i32
      %add3A_108 = arith.addi %add3A_107, %mul3A_106 : i32
      %swap3A_109 = arith.index_cast %add3A_108 : i32 to index
      %swap3A_110 = tpu.vector_load %arg6[%swap3A_109] {strides = array<i32>} : memref<32768xf32, #tpu.memory_space<vmem>>, vector<16xf32>,
      tpu.vector_store %arg6[%swap3A_109], %broadcast_in_dim3A_5 {strides = array<i32>} : memref<32768xf32, #tpu.memory_space<vmem>>, vector<16xf32>,
      %scan3A_111 = arith.constant 12 : i32
      %scan3A_112 = arith.addi %scan3A_17, %scan3A_111 : i32
      %mul3A_113 = arith.constant 16 : i32
      %mul3A_114 = arith.muli %scan3A_112, %mul3A_113 : i32
      %add3A_115 = arith.constant 0 : i32
      %add3A_116 = arith.addi %add3A_115, %mul3A_114 : i32
      %swap3A_117 = arith.index_cast %add3A_116 : i32 to index
      %swap3A_118 = tpu.vector_load %arg6[%swap3A_117] {strides = array<i32>} : memref<32768xf32, #tpu.memory_space<vmem>>, vector<16xf32>,
      tpu.vector_store %arg6[%swap3A_117], %broadcast_in_dim3A_5 {strides = array<i32>} : memref<32768xf32, #tpu.memory_space<vmem>>, vector<16xf32>,
      %scan3A_119 = arith.constant 13 : i32
      %scan3A_120 = arith.addi %scan3A_17, %scan3A_119 : i32
      %mul3A_121 = arith.constant 16 : i32
      %mul3A_122 = arith.muli %scan3A_120, %mul3A_121 : i32
      %add3A_123 = arith.constant 0 : i32
      %add3A_124 = arith.addi %add3A_123, %mul3A_122 : i32
      %swap3A_125 = arith.index_cast %add3A_124 : i32 to index
      %swap3A_126 = tpu.vector_load %arg6[%swap3A_125] {strides = array<i32>} : memref<32768xf32, #tpu.memory_space<vmem>>, vector<16xf32>,
      tpu.vector_store %arg6[%swap3A_125], %broadcast_in_dim3A_5 {strides = array<i32>} : memref<32768xf32, #tpu.memory_space<vmem>>, vector<16xf32>,
      %scan3A_127 = arith.constant 14 : i32
      %scan3A_128 = arith.addi %scan3A_17, %scan3A_127 : i32
      %mul3A_129 = arith.constant 16 : i32
      %mul3A_130 = arith.muli %scan3A_128, %mul3A_129 : i32
      %add3A_131 = arith.constant 0 : i32
      %add3A_132 = arith.addi %add3A_131, %mul3A_130 : i32
      %swap3A_133 = arith.index_cast %add3A_132 : i32 to index
      %swap3A_134 = tpu.vector_load %arg6[%swap3A_133] {strides = array<i32>} : memref<32768xf32, #tpu.memory_space<vmem>>, vector<16xf32>,
      tpu.vector_store %arg6[%swap3A_133], %broadcast_in_dim3A_5 {strides = array<i32>} : memref<32768xf32, #tpu.memory_space<vmem>>, vector<16xf32>,
      %scan3A_135 = arith.constant 15 : i32
      %scan3A_136 = arith.addi %scan3A_17, %scan3A_135 : i32
      %mul3A_137 = arith.constant 16 : i32
      %mul3A_138 = arith.muli %scan3A_136, %mul3A_137 : i32
      %add3A_139 = arith.constant 0 : i32
      %add3A_140 = arith.addi %add3A_139, %mul3A_138 : i32
      %swap3A_141 = arith.index_cast %add3A_140 : i32 to index
      %swap3A_142 = tpu.vector_load %arg6[%swap3A_141] {strides = array<i32>} : memref<32768xf32, #tpu.memory_space<vmem>>, vector<16xf32>,
      tpu.vector_store %arg6[%swap3A_141], %broadcast_in_dim3A_5 {strides = array<i32>} : memref<32768xf32, #tpu.memory_space<vmem>>, vector<16xf32>,
    }
    %scan3A_9 = arith.constant 2048 : i32
    "tpu.region"() ({
      %run_scoped3A = tpu.sem_alloc : memref<!tpu.dma_semaphore, #tpu.memory_space<semaphore_mem>>
      %dma_start3A = arith.constant 0 : i32
      %dma_start3A_17 = tpu.memref_slice %arg2[%dma_start3A] : memref<65536xi32, #tpu.memory_space<hbm>> -> memref<32768xi32, #tpu.memory_space<hbm>>
      %dma_start3A_18 = arith.constant 0 : i32
      %dma_start3A_19 = tpu.memref_slice %arg2[%dma_start3A_18] : memref<65536xi32, #tpu.memory_space<hbm>> -> memref<32768xi32, #tpu.memory_space<hbm>>
      tpu.enqueue_dma source(%dma_start3A_19 : memref<32768xi32, #tpu.memory_space<hbm>>) target(%arg4 : memref<32768xi32, #tpu.memory_space<vmem>>) target_semaphore(%run_scoped3A : memref<!tpu.dma_semaphore, #tpu.memory_space<semaphore_mem>>)
      %dma_wait3A = arith.constant 0 : i32
      %dma_wait3A_20 = tpu.memref_slice %arg2[%dma_wait3A] : memref<65536xi32, #tpu.memory_space<hbm>> -> memref<32768xi32, #tpu.memory_space<hbm>>
      %dma_wait3A_21 = arith.constant 0 : i32
      %dma_wait3A_22 = tpu.memref_slice %arg2[%dma_wait3A_21] : memref<65536xi32, #tpu.memory_space<hbm>> -> memref<32768xi32, #tpu.memory_space<hbm>>
      tpu.wait_dma2 semaphore(%run_scoped3A : memref<!tpu.dma_semaphore, #tpu.memory_space<semaphore_mem>>) src(%dma_wait3A_22 : memref<32768xi32, #tpu.memory_space<hbm>>) dst(%arg4 : memref<32768xi32, #tpu.memory_space<vmem>>)
      tpu.yield
    }) : () -> ()
    "tpu.region"() ({
      %run_scoped3A = tpu.sem_alloc : memref<!tpu.dma_semaphore, #tpu.memory_space<semaphore_mem>>
      %dma_start3A = arith.constant 32768 : i32
      %dma_start3A_17 = tpu.memref_slice %arg2[%dma_start3A] : memref<65536xi32, #tpu.memory_space<hbm>> -> memref<32768xi32, #tpu.memory_space<hbm>>
      %dma_start3A_18 = arith.constant 32768 : i32
      %dma_start3A_19 = tpu.memref_slice %arg2[%dma_start3A_18] : memref<65536xi32, #tpu.memory_space<hbm>> -> memref<32768xi32, #tpu.memory_space<hbm>>
      tpu.enqueue_dma source(%dma_start3A_19 : memref<32768xi32, #tpu.memory_space<hbm>>) target(%arg5 : memref<32768xi32, #tpu.memory_space<vmem>>) target_semaphore(%run_scoped3A : memref<!tpu.dma_semaphore, #tpu.memory_space<semaphore_mem>>)
      %dma_wait3A = arith.constant 32768 : i32
      %dma_wait3A_20 = tpu.memref_slice %arg2[%dma_wait3A] : memref<65536xi32, #tpu.memory_space<hbm>> -> memref<32768xi32, #tpu.memory_space<hbm>>
      %dma_wait3A_21 = arith.constant 32768 : i32
      %dma_wait3A_22 = tpu.memref_slice %arg2[%dma_wait3A_21] : memref<65536xi32, #tpu.memory_space<hbm>> -> memref<32768xi32, #tpu.memory_space<hbm>>
      tpu.wait_dma2 semaphore(%run_scoped3A : memref<!tpu.dma_semaphore, #tpu.memory_space<semaphore_mem>>) src(%dma_wait3A_22 : memref<32768xi32, #tpu.memory_space<hbm>>) dst(%arg5 : memref<32768xi32, #tpu.memory_space<vmem>>)
      tpu.yield
    }) : () -> ()
    %scan3A_10 = arith.constant 0 : i32
    %scan3A_11 = arith.constant 2048 : i32
    %scan3A_12 = arith.addi %scan3A_10, %scan3A_11 : i32
    %scan3A_13 = arith.constant 8 : i32
    scf.for %scan3A_17 = %scan3A_10 to %scan3A_12 step %scan3A_13  : i32 {
      %mul3A_18 = arith.constant 16 : i32
      %mul3A_19 = arith.muli %scan3A_17, %mul3A_18 : i32
      %add3A_20 = arith.constant 0 : i32
      %add3A_21 = arith.addi %add3A_20, %mul3A_19 : i32
      %get3A = arith.index_cast %add3A_21 : i32 to index
      %get3A_22 = tpu.vector_load %arg4[%get3A] {strides = array<i32>} : memref<32768xi32, #tpu.memory_space<vmem>>, vector<16xi32>,
      %get3A_23 = arith.index_cast %add3A_21 : i32 to index
      %get3A_24 = tpu.vector_load %arg5[%get3A_23] {strides = array<i32>} : memref<32768xi32, #tpu.memory_space<vmem>>, vector<16xi32>,
      %sub3A = vector.broadcast %mul3A_2 : i32 to vector<16xi32>
      %sub3A_25 = arith.subi %get3A_24, %sub3A : vector<16xi32>
      %ge3A = arith.constant 0 : i32
      %ge3A_26 = vector.broadcast %ge3A : i32 to vector<16xi32>
      %ge3A_27 = arith.cmpi sge, %sub3A_25, %ge3A_26 : vector<16xi32>
      %lt3A = arith.constant 32 : i32
      %lt3A_28 = vector.broadcast %lt3A : i32 to vector<16xi32>
      %lt3A_29 = arith.cmpi slt, %sub3A_25, %lt3A_28 : vector<16xi32>
      %and3A = arith.andi %ge3A_27, %lt3A_29 : vector<16xi1>
      %mul3A_30 = arith.constant 1024 : i32
      %mul3A_31 = vector.broadcast %mul3A_30 : i32 to vector<16xi32>
      %mul3A_32 = arith.muli %sub3A_25, %mul3A_31 : vector<16xi32>
      %add3A_33 = arith.addi %mul3A_32, %get3A_22 : vector<16xi32>
      %jit3A = arith.constant 0 : i32
      %broadcast_in_dim3A_34 = vector.broadcast %jit3A : i32 to vector<16xi32>
      %select_n3A = arith.select %and3A, %add3A_33, %broadcast_in_dim3A_34 : vector<16xi1>, vector<16xi32>
      tpu.vector_store_idx %arg6[%select_n3A], %broadcast_in_dim3A_3 masked %and3A {add = true} : memref<32768xf32, #tpu.memory_space<vmem>>[vector<16xi32>], vector<16xf32>, vector<16xi1>
      %scan3A_35 = arith.constant 1 : i32
      %scan3A_36 = arith.addi %scan3A_17, %scan3A_35 : i32
      %mul3A_37 = arith.constant 16 : i32
      %mul3A_38 = arith.muli %scan3A_36, %mul3A_37 : i32
      %add3A_39 = arith.constant 0 : i32
      %add3A_40 = arith.addi %add3A_39, %mul3A_38 : i32
      %get3A_41 = arith.index_cast %add3A_40 : i32 to index
      %get3A_42 = tpu.vector_load %arg4[%get3A_41] {strides = array<i32>} : memref<32768xi32, #tpu.memory_space<vmem>>, vector<16xi32>,
      %get3A_43 = arith.index_cast %add3A_40 : i32 to index
      %get3A_44 = tpu.vector_load %arg5[%get3A_43] {strides = array<i32>} : memref<32768xi32, #tpu.memory_space<vmem>>, vector<16xi32>,
      %sub3A_45 = vector.broadcast %mul3A_2 : i32 to vector<16xi32>
      %sub3A_46 = arith.subi %get3A_44, %sub3A_45 : vector<16xi32>
      %ge3A_47 = arith.constant 0 : i32
      %ge3A_48 = vector.broadcast %ge3A_47 : i32 to vector<16xi32>
      %ge3A_49 = arith.cmpi sge, %sub3A_46, %ge3A_48 : vector<16xi32>
      %lt3A_50 = arith.constant 32 : i32
      %lt3A_51 = vector.broadcast %lt3A_50 : i32 to vector<16xi32>
      %lt3A_52 = arith.cmpi slt, %sub3A_46, %lt3A_51 : vector<16xi32>
      %and3A_53 = arith.andi %ge3A_49, %lt3A_52 : vector<16xi1>
      %mul3A_54 = arith.constant 1024 : i32
      %mul3A_55 = vector.broadcast %mul3A_54 : i32 to vector<16xi32>
      %mul3A_56 = arith.muli %sub3A_46, %mul3A_55 : vector<16xi32>
      %add3A_57 = arith.addi %mul3A_56, %get3A_42 : vector<16xi32>
      %jit3A_58 = arith.constant 0 : i32
      %broadcast_in_dim3A_59 = vector.broadcast %jit3A_58 : i32 to vector<16xi32>
      %select_n3A_60 = arith.select %and3A_53, %add3A_57, %broadcast_in_dim3A_59 : vector<16xi1>, vector<16xi32>
      tpu.vector_store_idx %arg6[%select_n3A_60], %broadcast_in_dim3A_3 masked %and3A_53 {add = true} : memref<32768xf32, #tpu.memory_space<vmem>>[vector<16xi32>], vector<16xf32>, vector<16xi1>
      %scan3A_61 = arith.constant 2 : i32
      %scan3A_62 = arith.addi %scan3A_17, %scan3A_61 : i32
      %mul3A_63 = arith.constant 16 : i32
      %mul3A_64 = arith.muli %scan3A_62, %mul3A_63 : i32
      %add3A_65 = arith.constant 0 : i32
      %add3A_66 = arith.addi %add3A_65, %mul3A_64 : i32
      %get3A_67 = arith.index_cast %add3A_66 : i32 to index
      %get3A_68 = tpu.vector_load %arg4[%get3A_67] {strides = array<i32>} : memref<32768xi32, #tpu.memory_space<vmem>>, vector<16xi32>,
      %get3A_69 = arith.index_cast %add3A_66 : i32 to index
      %get3A_70 = tpu.vector_load %arg5[%get3A_69] {strides = array<i32>} : memref<32768xi32, #tpu.memory_space<vmem>>, vector<16xi32>,
      %sub3A_71 = vector.broadcast %mul3A_2 : i32 to vector<16xi32>
      %sub3A_72 = arith.subi %get3A_70, %sub3A_71 : vector<16xi32>
      %ge3A_73 = arith.constant 0 : i32
      %ge3A_74 = vector.broadcast %ge3A_73 : i32 to vector<16xi32>
      %ge3A_75 = arith.cmpi sge, %sub3A_72, %ge3A_74 : vector<16xi32>
      %lt3A_76 = arith.constant 32 : i32
      %lt3A_77 = vector.broadcast %lt3A_76 : i32 to vector<16xi32>
      %lt3A_78 = arith.cmpi slt, %sub3A_72, %lt3A_77 : vector<16xi32>
      %and3A_79 = arith.andi %ge3A_75, %lt3A_78 : vector<16xi1>
      %mul3A_80 = arith.constant 1024 : i32
      %mul3A_81 = vector.broadcast %mul3A_80 : i32 to vector<16xi32>
      %mul3A_82 = arith.muli %sub3A_72, %mul3A_81 : vector<16xi32>
      %add3A_83 = arith.addi %mul3A_82, %get3A_68 : vector<16xi32>
      %jit3A_84 = arith.constant 0 : i32
      %broadcast_in_dim3A_85 = vector.broadcast %jit3A_84 : i32 to vector<16xi32>
      %select_n3A_86 = arith.select %and3A_79, %add3A_83, %broadcast_in_dim3A_85 : vector<16xi1>, vector<16xi32>
      tpu.vector_store_idx %arg6[%select_n3A_86], %broadcast_in_dim3A_3 masked %and3A_79 {add = true} : memref<32768xf32, #tpu.memory_space<vmem>>[vector<16xi32>], vector<16xf32>, vector<16xi1>
      %scan3A_87 = arith.constant 3 : i32
      %scan3A_88 = arith.addi %scan3A_17, %scan3A_87 : i32
      %mul3A_89 = arith.constant 16 : i32
      %mul3A_90 = arith.muli %scan3A_88, %mul3A_89 : i32
      %add3A_91 = arith.constant 0 : i32
      %add3A_92 = arith.addi %add3A_91, %mul3A_90 : i32
      %get3A_93 = arith.index_cast %add3A_92 : i32 to index
      %get3A_94 = tpu.vector_load %arg4[%get3A_93] {strides = array<i32>} : memref<32768xi32, #tpu.memory_space<vmem>>, vector<16xi32>,
      %get3A_95 = arith.index_cast %add3A_92 : i32 to index
      %get3A_96 = tpu.vector_load %arg5[%get3A_95] {strides = array<i32>} : memref<32768xi32, #tpu.memory_space<vmem>>, vector<16xi32>,
      %sub3A_97 = vector.broadcast %mul3A_2 : i32 to vector<16xi32>
      %sub3A_98 = arith.subi %get3A_96, %sub3A_97 : vector<16xi32>
      %ge3A_99 = arith.constant 0 : i32
      %ge3A_100 = vector.broadcast %ge3A_99 : i32 to vector<16xi32>
      %ge3A_101 = arith.cmpi sge, %sub3A_98, %ge3A_100 : vector<16xi32>
      %lt3A_102 = arith.constant 32 : i32
      %lt3A_103 = vector.broadcast %lt3A_102 : i32 to vector<16xi32>
      %lt3A_104 = arith.cmpi slt, %sub3A_98, %lt3A_103 : vector<16xi32>
      %and3A_105 = arith.andi %ge3A_101, %lt3A_104 : vector<16xi1>
      %mul3A_106 = arith.constant 1024 : i32
      %mul3A_107 = vector.broadcast %mul3A_106 : i32 to vector<16xi32>
      %mul3A_108 = arith.muli %sub3A_98, %mul3A_107 : vector<16xi32>
      %add3A_109 = arith.addi %mul3A_108, %get3A_94 : vector<16xi32>
      %jit3A_110 = arith.constant 0 : i32
      %broadcast_in_dim3A_111 = vector.broadcast %jit3A_110 : i32 to vector<16xi32>
      %select_n3A_112 = arith.select %and3A_105, %add3A_109, %broadcast_in_dim3A_111 : vector<16xi1>, vector<16xi32>
      tpu.vector_store_idx %arg6[%select_n3A_112], %broadcast_in_dim3A_3 masked %and3A_105 {add = true} : memref<32768xf32, #tpu.memory_space<vmem>>[vector<16xi32>], vector<16xf32>, vector<16xi1>
      %scan3A_113 = arith.constant 4 : i32
      %scan3A_114 = arith.addi %scan3A_17, %scan3A_113 : i32
      %mul3A_115 = arith.constant 16 : i32
      %mul3A_116 = arith.muli %scan3A_114, %mul3A_115 : i32
      %add3A_117 = arith.constant 0 : i32
      %add3A_118 = arith.addi %add3A_117, %mul3A_116 : i32
      %get3A_119 = arith.index_cast %add3A_118 : i32 to index
      %get3A_120 = tpu.vector_load %arg4[%get3A_119] {strides = array<i32>} : memref<32768xi32, #tpu.memory_space<vmem>>, vector<16xi32>,
      %get3A_121 = arith.index_cast %add3A_118 : i32 to index
      %get3A_122 = tpu.vector_load %arg5[%get3A_121] {strides = array<i32>} : memref<32768xi32, #tpu.memory_space<vmem>>, vector<16xi32>,
      %sub3A_123 = vector.broadcast %mul3A_2 : i32 to vector<16xi32>
      %sub3A_124 = arith.subi %get3A_122, %sub3A_123 : vector<16xi32>
      %ge3A_125 = arith.constant 0 : i32
      %ge3A_126 = vector.broadcast %ge3A_125 : i32 to vector<16xi32>
      %ge3A_127 = arith.cmpi sge, %sub3A_124, %ge3A_126 : vector<16xi32>
      %lt3A_128 = arith.constant 32 : i32
      %lt3A_129 = vector.broadcast %lt3A_128 : i32 to vector<16xi32>
      %lt3A_130 = arith.cmpi slt, %sub3A_124, %lt3A_129 : vector<16xi32>
      %and3A_131 = arith.andi %ge3A_127, %lt3A_130 : vector<16xi1>
      %mul3A_132 = arith.constant 1024 : i32
      %mul3A_133 = vector.broadcast %mul3A_132 : i32 to vector<16xi32>
      %mul3A_134 = arith.muli %sub3A_124, %mul3A_133 : vector<16xi32>
      %add3A_135 = arith.addi %mul3A_134, %get3A_120 : vector<16xi32>
      %jit3A_136 = arith.constant 0 : i32
      %broadcast_in_dim3A_137 = vector.broadcast %jit3A_136 : i32 to vector<16xi32>
      %select_n3A_138 = arith.select %and3A_131, %add3A_135, %broadcast_in_dim3A_137 : vector<16xi1>, vector<16xi32>
      tpu.vector_store_idx %arg6[%select_n3A_138], %broadcast_in_dim3A_3 masked %and3A_131 {add = true} : memref<32768xf32, #tpu.memory_space<vmem>>[vector<16xi32>], vector<16xf32>, vector<16xi1>
      %scan3A_139 = arith.constant 5 : i32
      %scan3A_140 = arith.addi %scan3A_17, %scan3A_139 : i32
      %mul3A_141 = arith.constant 16 : i32
      %mul3A_142 = arith.muli %scan3A_140, %mul3A_141 : i32
      %add3A_143 = arith.constant 0 : i32
      %add3A_144 = arith.addi %add3A_143, %mul3A_142 : i32
      %get3A_145 = arith.index_cast %add3A_144 : i32 to index
      %get3A_146 = tpu.vector_load %arg4[%get3A_145] {strides = array<i32>} : memref<32768xi32, #tpu.memory_space<vmem>>, vector<16xi32>,
      %get3A_147 = arith.index_cast %add3A_144 : i32 to index
      %get3A_148 = tpu.vector_load %arg5[%get3A_147] {strides = array<i32>} : memref<32768xi32, #tpu.memory_space<vmem>>, vector<16xi32>,
      %sub3A_149 = vector.broadcast %mul3A_2 : i32 to vector<16xi32>
      %sub3A_150 = arith.subi %get3A_148, %sub3A_149 : vector<16xi32>
      %ge3A_151 = arith.constant 0 : i32
      %ge3A_152 = vector.broadcast %ge3A_151 : i32 to vector<16xi32>
      %ge3A_153 = arith.cmpi sge, %sub3A_150, %ge3A_152 : vector<16xi32>
      %lt3A_154 = arith.constant 32 : i32
      %lt3A_155 = vector.broadcast %lt3A_154 : i32 to vector<16xi32>
      %lt3A_156 = arith.cmpi slt, %sub3A_150, %lt3A_155 : vector<16xi32>
      %and3A_157 = arith.andi %ge3A_153, %lt3A_156 : vector<16xi1>
      %mul3A_158 = arith.constant 1024 : i32
      %mul3A_159 = vector.broadcast %mul3A_158 : i32 to vector<16xi32>
      %mul3A_160 = arith.muli %sub3A_150, %mul3A_159 : vector<16xi32>
      %add3A_161 = arith.addi %mul3A_160, %get3A_146 : vector<16xi32>
      %jit3A_162 = arith.constant 0 : i32
      %broadcast_in_dim3A_163 = vector.broadcast %jit3A_162 : i32 to vector<16xi32>
      %select_n3A_164 = arith.select %and3A_157, %add3A_161, %broadcast_in_dim3A_163 : vector<16xi1>, vector<16xi32>
      tpu.vector_store_idx %arg6[%select_n3A_164], %broadcast_in_dim3A_3 masked %and3A_157 {add = true} : memref<32768xf32, #tpu.memory_space<vmem>>[vector<16xi32>], vector<16xf32>, vector<16xi1>
      %scan3A_165 = arith.constant 6 : i32
      %scan3A_166 = arith.addi %scan3A_17, %scan3A_165 : i32
      %mul3A_167 = arith.constant 16 : i32
      %mul3A_168 = arith.muli %scan3A_166, %mul3A_167 : i32
      %add3A_169 = arith.constant 0 : i32
      %add3A_170 = arith.addi %add3A_169, %mul3A_168 : i32
      %get3A_171 = arith.index_cast %add3A_170 : i32 to index
      %get3A_172 = tpu.vector_load %arg4[%get3A_171] {strides = array<i32>} : memref<32768xi32, #tpu.memory_space<vmem>>, vector<16xi32>,
      %get3A_173 = arith.index_cast %add3A_170 : i32 to index
      %get3A_174 = tpu.vector_load %arg5[%get3A_173] {strides = array<i32>} : memref<32768xi32, #tpu.memory_space<vmem>>, vector<16xi32>,
      %sub3A_175 = vector.broadcast %mul3A_2 : i32 to vector<16xi32>
      %sub3A_176 = arith.subi %get3A_174, %sub3A_175 : vector<16xi32>
      %ge3A_177 = arith.constant 0 : i32
      %ge3A_178 = vector.broadcast %ge3A_177 : i32 to vector<16xi32>
      %ge3A_179 = arith.cmpi sge, %sub3A_176, %ge3A_178 : vector<16xi32>
      %lt3A_180 = arith.constant 32 : i32
      %lt3A_181 = vector.broadcast %lt3A_180 : i32 to vector<16xi32>
      %lt3A_182 = arith.cmpi slt, %sub3A_176, %lt3A_181 : vector<16xi32>
      %and3A_183 = arith.andi %ge3A_179, %lt3A_182 : vector<16xi1>
      %mul3A_184 = arith.constant 1024 : i32
      %mul3A_185 = vector.broadcast %mul3A_184 : i32 to vector<16xi32>
      %mul3A_186 = arith.muli %sub3A_176, %mul3A_185 : vector<16xi32>
      %add3A_187 = arith.addi %mul3A_186, %get3A_172 : vector<16xi32>
      %jit3A_188 = arith.constant 0 : i32
      %broadcast_in_dim3A_189 = vector.broadcast %jit3A_188 : i32 to vector<16xi32>
      %select_n3A_190 = arith.select %and3A_183, %add3A_187, %broadcast_in_dim3A_189 : vector<16xi1>, vector<16xi32>
      tpu.vector_store_idx %arg6[%select_n3A_190], %broadcast_in_dim3A_3 masked %and3A_183 {add = true} : memref<32768xf32, #tpu.memory_space<vmem>>[vector<16xi32>], vector<16xf32>, vector<16xi1>
      %scan3A_191 = arith.constant 7 : i32
      %scan3A_192 = arith.addi %scan3A_17, %scan3A_191 : i32
      %mul3A_193 = arith.constant 16 : i32
      %mul3A_194 = arith.muli %scan3A_192, %mul3A_193 : i32
      %add3A_195 = arith.constant 0 : i32
      %add3A_196 = arith.addi %add3A_195, %mul3A_194 : i32
      %get3A_197 = arith.index_cast %add3A_196 : i32 to index
      %get3A_198 = tpu.vector_load %arg4[%get3A_197] {strides = array<i32>} : memref<32768xi32, #tpu.memory_space<vmem>>, vector<16xi32>,
      %get3A_199 = arith.index_cast %add3A_196 : i32 to index
      %get3A_200 = tpu.vector_load %arg5[%get3A_199] {strides = array<i32>} : memref<32768xi32, #tpu.memory_space<vmem>>, vector<16xi32>,
      %sub3A_201 = vector.broadcast %mul3A_2 : i32 to vector<16xi32>
      %sub3A_202 = arith.subi %get3A_200, %sub3A_201 : vector<16xi32>
      %ge3A_203 = arith.constant 0 : i32
      %ge3A_204 = vector.broadcast %ge3A_203 : i32 to vector<16xi32>
      %ge3A_205 = arith.cmpi sge, %sub3A_202, %ge3A_204 : vector<16xi32>
      %lt3A_206 = arith.constant 32 : i32
      %lt3A_207 = vector.broadcast %lt3A_206 : i32 to vector<16xi32>
      %lt3A_208 = arith.cmpi slt, %sub3A_202, %lt3A_207 : vector<16xi32>
      %and3A_209 = arith.andi %ge3A_205, %lt3A_208 : vector<16xi1>
      %mul3A_210 = arith.constant 1024 : i32
      %mul3A_211 = vector.broadcast %mul3A_210 : i32 to vector<16xi32>
      %mul3A_212 = arith.muli %sub3A_202, %mul3A_211 : vector<16xi32>
      %add3A_213 = arith.addi %mul3A_212, %get3A_198 : vector<16xi32>
      %jit3A_214 = arith.constant 0 : i32
      %broadcast_in_dim3A_215 = vector.broadcast %jit3A_214 : i32 to vector<16xi32>
      %select_n3A_216 = arith.select %and3A_209, %add3A_213, %broadcast_in_dim3A_215 : vector<16xi1>, vector<16xi32>
      tpu.vector_store_idx %arg6[%select_n3A_216], %broadcast_in_dim3A_3 masked %and3A_209 {add = true} : memref<32768xf32, #tpu.memory_space<vmem>>[vector<16xi32>], vector<16xf32>, vector<16xi1>
    }
    %scan3A_14 = arith.constant 2048 : i32
    %mul3A_15 = arith.constant 1024 : i32
    %mul3A_16 = arith.muli %mul3A_2, %mul3A_15 : i32
    "tpu.region"() ({
      %run_scoped3A = tpu.sem_alloc : memref<!tpu.dma_semaphore, #tpu.memory_space<semaphore_mem>>
      %dma_start3A = tpu.memref_slice %arg3[%mul3A_16] : memref<1048576xf32, #tpu.memory_space<hbm>> -> memref<32768xf32, #tpu.memory_space<hbm>>
      %dma_start3A_17 = tpu.memref_slice %arg3[%mul3A_16] : memref<1048576xf32, #tpu.memory_space<hbm>> -> memref<32768xf32, #tpu.memory_space<hbm>>
      tpu.enqueue_dma source(%arg6 : memref<32768xf32, #tpu.memory_space<vmem>>) target(%dma_start3A_17 : memref<32768xf32, #tpu.memory_space<hbm>>) target_semaphore(%run_scoped3A : memref<!tpu.dma_semaphore, #tpu.memory_space<semaphore_mem>>)
      %dma_wait3A = tpu.memref_slice %arg3[%mul3A_16] : memref<1048576xf32, #tpu.memory_space<hbm>> -> memref<32768xf32, #tpu.memory_space<hbm>>
      %dma_wait3A_18 = tpu.memref_slice %arg3[%mul3A_16] : memref<1048576xf32, #tpu.memory_space<hbm>> -> memref<32768xf32, #tpu.memory_space<hbm>>
      tpu.wait_dma2 semaphore(%run_scoped3A : memref<!tpu.dma_semaphore, #tpu.memory_space<semaphore_mem>>) src(%arg6 : memref<32768xf32, #tpu.memory_space<vmem>>) dst(%dma_wait3A_18 : memref<32768xf32, #tpu.memory_space<hbm>>)
      tpu.yield
    }) : () -> ()
    return
  }
}

#map = affine_map<(d0, d1) -> (0)>
module attributes {stable_mosaic.version = 14 : i64} {
  func.func @sc_kernel(%arg0: i32, %arg1: i32, %arg2: memref<65536xi32, #tpu.memory_space<hbm>>, %arg3: memref<1048576xf32, #tpu.memory_space<hbm>>, %arg4: memref<32768xi32, #tpu.memory_space<vmem>>, %arg5: memref<32768xi32, #tpu.memory_space<vmem>>, %arg6: memref<32768xf32, #tpu.memory_space<vmem>>) attributes {dimension_semantics = [#tpu.dimension_semantics<core_parallel>, #tpu.dimension_semantics<subcore_parallel>], iteration_bounds = array<i64: 2, 16>, scalar_prefetch = 0 : i64, scratch_operands = 3 : i64, tpu.core_type = #tpu.core_type<sc_vector_subcore>, window_params = [{transform_indices = #map}, {transform_indices = #map}]} {
    %mul3A = arith.constant 2 : i32
    %mul3A_0 = arith.muli %arg1, %mul3A : i32
    %add3A = arith.addi %mul3A_0, %arg0 : i32
    %mul3A_1 = arith.constant 32 : i32
    %mul3A_2 = arith.muli %add3A, %mul3A_1 : i32
    %broadcast_in_dim3A = arith.constant 1.000000e+00 : f32
    %broadcast_in_dim3A_3 = vector.broadcast %broadcast_in_dim3A : f32 to vector<16xf32>
    %broadcast_in_dim3A_4 = arith.constant 0.000000e+00 : f32
    %broadcast_in_dim3A_5 = vector.broadcast %broadcast_in_dim3A_4 : f32 to vector<16xf32>
    %scan3A = arith.constant 0 : i32
    %scan3A_6 = arith.constant 2048 : i32
    %scan3A_7 = arith.addi %scan3A, %scan3A_6 : i32
    %scan3A_8 = arith.constant 16 : i32
    scf.for %scan3A_17 = %scan3A to %scan3A_7 step %scan3A_8  : i32 {
      %mul3A_18 = arith.constant 16 : i32
      %mul3A_19 = arith.muli %scan3A_17, %mul3A_18 : i32
      %add3A_20 = arith.constant 0 : i32
      %add3A_21 = arith.addi %add3A_20, %mul3A_19 : i32
      %swap3A = arith.index_cast %add3A_21 : i32 to index
      %swap3A_22 = tpu.vector_load %arg6[%swap3A] {strides = array<i32>} : memref<32768xf32, #tpu.memory_space<vmem>>, vector<16xf32>,
      tpu.vector_store %arg6[%swap3A], %broadcast_in_dim3A_5 {strides = array<i32>} : memref<32768xf32, #tpu.memory_space<vmem>>, vector<16xf32>,
      %scan3A_23 = arith.constant 1 : i32
      %scan3A_24 = arith.addi %scan3A_17, %scan3A_23 : i32
      %mul3A_25 = arith.constant 16 : i32
      %mul3A_26 = arith.muli %scan3A_24, %mul3A_25 : i32
      %add3A_27 = arith.constant 0 : i32
      %add3A_28 = arith.addi %add3A_27, %mul3A_26 : i32
      %swap3A_29 = arith.index_cast %add3A_28 : i32 to index
      %swap3A_30 = tpu.vector_load %arg6[%swap3A_29] {strides = array<i32>} : memref<32768xf32, #tpu.memory_space<vmem>>, vector<16xf32>,
      tpu.vector_store %arg6[%swap3A_29], %broadcast_in_dim3A_5 {strides = array<i32>} : memref<32768xf32, #tpu.memory_space<vmem>>, vector<16xf32>,
      %scan3A_31 = arith.constant 2 : i32
      %scan3A_32 = arith.addi %scan3A_17, %scan3A_31 : i32
      %mul3A_33 = arith.constant 16 : i32
      %mul3A_34 = arith.muli %scan3A_32, %mul3A_33 : i32
      %add3A_35 = arith.constant 0 : i32
      %add3A_36 = arith.addi %add3A_35, %mul3A_34 : i32
      %swap3A_37 = arith.index_cast %add3A_36 : i32 to index
      %swap3A_38 = tpu.vector_load %arg6[%swap3A_37] {strides = array<i32>} : memref<32768xf32, #tpu.memory_space<vmem>>, vector<16xf32>,
      tpu.vector_store %arg6[%swap3A_37], %broadcast_in_dim3A_5 {strides = array<i32>} : memref<32768xf32, #tpu.memory_space<vmem>>, vector<16xf32>,
      %scan3A_39 = arith.constant 3 : i32
      %scan3A_40 = arith.addi %scan3A_17, %scan3A_39 : i32
      %mul3A_41 = arith.constant 16 : i32
      %mul3A_42 = arith.muli %scan3A_40, %mul3A_41 : i32
      %add3A_43 = arith.constant 0 : i32
      %add3A_44 = arith.addi %add3A_43, %mul3A_42 : i32
      %swap3A_45 = arith.index_cast %add3A_44 : i32 to index
      %swap3A_46 = tpu.vector_load %arg6[%swap3A_45] {strides = array<i32>} : memref<32768xf32, #tpu.memory_space<vmem>>, vector<16xf32>,
      tpu.vector_store %arg6[%swap3A_45], %broadcast_in_dim3A_5 {strides = array<i32>} : memref<32768xf32, #tpu.memory_space<vmem>>, vector<16xf32>,
      %scan3A_47 = arith.constant 4 : i32
      %scan3A_48 = arith.addi %scan3A_17, %scan3A_47 : i32
      %mul3A_49 = arith.constant 16 : i32
      %mul3A_50 = arith.muli %scan3A_48, %mul3A_49 : i32
      %add3A_51 = arith.constant 0 : i32
      %add3A_52 = arith.addi %add3A_51, %mul3A_50 : i32
      %swap3A_53 = arith.index_cast %add3A_52 : i32 to index
      %swap3A_54 = tpu.vector_load %arg6[%swap3A_53] {strides = array<i32>} : memref<32768xf32, #tpu.memory_space<vmem>>, vector<16xf32>,
      tpu.vector_store %arg6[%swap3A_53], %broadcast_in_dim3A_5 {strides = array<i32>} : memref<32768xf32, #tpu.memory_space<vmem>>, vector<16xf32>,
      %scan3A_55 = arith.constant 5 : i32
      %scan3A_56 = arith.addi %scan3A_17, %scan3A_55 : i32
      %mul3A_57 = arith.constant 16 : i32
      %mul3A_58 = arith.muli %scan3A_56, %mul3A_57 : i32
      %add3A_59 = arith.constant 0 : i32
      %add3A_60 = arith.addi %add3A_59, %mul3A_58 : i32
      %swap3A_61 = arith.index_cast %add3A_60 : i32 to index
      %swap3A_62 = tpu.vector_load %arg6[%swap3A_61] {strides = array<i32>} : memref<32768xf32, #tpu.memory_space<vmem>>, vector<16xf32>,
      tpu.vector_store %arg6[%swap3A_61], %broadcast_in_dim3A_5 {strides = array<i32>} : memref<32768xf32, #tpu.memory_space<vmem>>, vector<16xf32>,
      %scan3A_63 = arith.constant 6 : i32
      %scan3A_64 = arith.addi %scan3A_17, %scan3A_63 : i32
      %mul3A_65 = arith.constant 16 : i32
      %mul3A_66 = arith.muli %scan3A_64, %mul3A_65 : i32
      %add3A_67 = arith.constant 0 : i32
      %add3A_68 = arith.addi %add3A_67, %mul3A_66 : i32
      %swap3A_69 = arith.index_cast %add3A_68 : i32 to index
      %swap3A_70 = tpu.vector_load %arg6[%swap3A_69] {strides = array<i32>} : memref<32768xf32, #tpu.memory_space<vmem>>, vector<16xf32>,
      tpu.vector_store %arg6[%swap3A_69], %broadcast_in_dim3A_5 {strides = array<i32>} : memref<32768xf32, #tpu.memory_space<vmem>>, vector<16xf32>,
      %scan3A_71 = arith.constant 7 : i32
      %scan3A_72 = arith.addi %scan3A_17, %scan3A_71 : i32
      %mul3A_73 = arith.constant 16 : i32
      %mul3A_74 = arith.muli %scan3A_72, %mul3A_73 : i32
      %add3A_75 = arith.constant 0 : i32
      %add3A_76 = arith.addi %add3A_75, %mul3A_74 : i32
      %swap3A_77 = arith.index_cast %add3A_76 : i32 to index
      %swap3A_78 = tpu.vector_load %arg6[%swap3A_77] {strides = array<i32>} : memref<32768xf32, #tpu.memory_space<vmem>>, vector<16xf32>,
      tpu.vector_store %arg6[%swap3A_77], %broadcast_in_dim3A_5 {strides = array<i32>} : memref<32768xf32, #tpu.memory_space<vmem>>, vector<16xf32>,
      %scan3A_79 = arith.constant 8 : i32
      %scan3A_80 = arith.addi %scan3A_17, %scan3A_79 : i32
      %mul3A_81 = arith.constant 16 : i32
      %mul3A_82 = arith.muli %scan3A_80, %mul3A_81 : i32
      %add3A_83 = arith.constant 0 : i32
      %add3A_84 = arith.addi %add3A_83, %mul3A_82 : i32
      %swap3A_85 = arith.index_cast %add3A_84 : i32 to index
      %swap3A_86 = tpu.vector_load %arg6[%swap3A_85] {strides = array<i32>} : memref<32768xf32, #tpu.memory_space<vmem>>, vector<16xf32>,
      tpu.vector_store %arg6[%swap3A_85], %broadcast_in_dim3A_5 {strides = array<i32>} : memref<32768xf32, #tpu.memory_space<vmem>>, vector<16xf32>,
      %scan3A_87 = arith.constant 9 : i32
      %scan3A_88 = arith.addi %scan3A_17, %scan3A_87 : i32
      %mul3A_89 = arith.constant 16 : i32
      %mul3A_90 = arith.muli %scan3A_88, %mul3A_89 : i32
      %add3A_91 = arith.constant 0 : i32
      %add3A_92 = arith.addi %add3A_91, %mul3A_90 : i32
      %swap3A_93 = arith.index_cast %add3A_92 : i32 to index
      %swap3A_94 = tpu.vector_load %arg6[%swap3A_93] {strides = array<i32>} : memref<32768xf32, #tpu.memory_space<vmem>>, vector<16xf32>,
      tpu.vector_store %arg6[%swap3A_93], %broadcast_in_dim3A_5 {strides = array<i32>} : memref<32768xf32, #tpu.memory_space<vmem>>, vector<16xf32>,
      %scan3A_95 = arith.constant 10 : i32
      %scan3A_96 = arith.addi %scan3A_17, %scan3A_95 : i32
      %mul3A_97 = arith.constant 16 : i32
      %mul3A_98 = arith.muli %scan3A_96, %mul3A_97 : i32
      %add3A_99 = arith.constant 0 : i32
      %add3A_100 = arith.addi %add3A_99, %mul3A_98 : i32
      %swap3A_101 = arith.index_cast %add3A_100 : i32 to index
      %swap3A_102 = tpu.vector_load %arg6[%swap3A_101] {strides = array<i32>} : memref<32768xf32, #tpu.memory_space<vmem>>, vector<16xf32>,
      tpu.vector_store %arg6[%swap3A_101], %broadcast_in_dim3A_5 {strides = array<i32>} : memref<32768xf32, #tpu.memory_space<vmem>>, vector<16xf32>,
      %scan3A_103 = arith.constant 11 : i32
      %scan3A_104 = arith.addi %scan3A_17, %scan3A_103 : i32
      %mul3A_105 = arith.constant 16 : i32
      %mul3A_106 = arith.muli %scan3A_104, %mul3A_105 : i32
      %add3A_107 = arith.constant 0 : i32
      %add3A_108 = arith.addi %add3A_107, %mul3A_106 : i32
      %swap3A_109 = arith.index_cast %add3A_108 : i32 to index
      %swap3A_110 = tpu.vector_load %arg6[%swap3A_109] {strides = array<i32>} : memref<32768xf32, #tpu.memory_space<vmem>>, vector<16xf32>,
      tpu.vector_store %arg6[%swap3A_109], %broadcast_in_dim3A_5 {strides = array<i32>} : memref<32768xf32, #tpu.memory_space<vmem>>, vector<16xf32>,
      %scan3A_111 = arith.constant 12 : i32
      %scan3A_112 = arith.addi %scan3A_17, %scan3A_111 : i32
      %mul3A_113 = arith.constant 16 : i32
      %mul3A_114 = arith.muli %scan3A_112, %mul3A_113 : i32
      %add3A_115 = arith.constant 0 : i32
      %add3A_116 = arith.addi %add3A_115, %mul3A_114 : i32
      %swap3A_117 = arith.index_cast %add3A_116 : i32 to index
      %swap3A_118 = tpu.vector_load %arg6[%swap3A_117] {strides = array<i32>} : memref<32768xf32, #tpu.memory_space<vmem>>, vector<16xf32>,
      tpu.vector_store %arg6[%swap3A_117], %broadcast_in_dim3A_5 {strides = array<i32>} : memref<32768xf32, #tpu.memory_space<vmem>>, vector<16xf32>,
      %scan3A_119 = arith.constant 13 : i32
      %scan3A_120 = arith.addi %scan3A_17, %scan3A_119 : i32
      %mul3A_121 = arith.constant 16 : i32
      %mul3A_122 = arith.muli %scan3A_120, %mul3A_121 : i32
      %add3A_123 = arith.constant 0 : i32
      %add3A_124 = arith.addi %add3A_123, %mul3A_122 : i32
      %swap3A_125 = arith.index_cast %add3A_124 : i32 to index
      %swap3A_126 = tpu.vector_load %arg6[%swap3A_125] {strides = array<i32>} : memref<32768xf32, #tpu.memory_space<vmem>>, vector<16xf32>,
      tpu.vector_store %arg6[%swap3A_125], %broadcast_in_dim3A_5 {strides = array<i32>} : memref<32768xf32, #tpu.memory_space<vmem>>, vector<16xf32>,
      %scan3A_127 = arith.constant 14 : i32
      %scan3A_128 = arith.addi %scan3A_17, %scan3A_127 : i32
      %mul3A_129 = arith.constant 16 : i32
      %mul3A_130 = arith.muli %scan3A_128, %mul3A_129 : i32
      %add3A_131 = arith.constant 0 : i32
      %add3A_132 = arith.addi %add3A_131, %mul3A_130 : i32
      %swap3A_133 = arith.index_cast %add3A_132 : i32 to index
      %swap3A_134 = tpu.vector_load %arg6[%swap3A_133] {strides = array<i32>} : memref<32768xf32, #tpu.memory_space<vmem>>, vector<16xf32>,
      tpu.vector_store %arg6[%swap3A_133], %broadcast_in_dim3A_5 {strides = array<i32>} : memref<32768xf32, #tpu.memory_space<vmem>>, vector<16xf32>,
      %scan3A_135 = arith.constant 15 : i32
      %scan3A_136 = arith.addi %scan3A_17, %scan3A_135 : i32
      %mul3A_137 = arith.constant 16 : i32
      %mul3A_138 = arith.muli %scan3A_136, %mul3A_137 : i32
      %add3A_139 = arith.constant 0 : i32
      %add3A_140 = arith.addi %add3A_139, %mul3A_138 : i32
      %swap3A_141 = arith.index_cast %add3A_140 : i32 to index
      %swap3A_142 = tpu.vector_load %arg6[%swap3A_141] {strides = array<i32>} : memref<32768xf32, #tpu.memory_space<vmem>>, vector<16xf32>,
      tpu.vector_store %arg6[%swap3A_141], %broadcast_in_dim3A_5 {strides = array<i32>} : memref<32768xf32, #tpu.memory_space<vmem>>, vector<16xf32>,
    }
    %scan3A_9 = arith.constant 2048 : i32
    "tpu.region"() ({
      %run_scoped3A = tpu.sem_alloc : memref<!tpu.dma_semaphore, #tpu.memory_space<semaphore_mem>>
      %dma_start3A = arith.constant 0 : i32
      %dma_start3A_17 = tpu.memref_slice %arg2[%dma_start3A] : memref<65536xi32, #tpu.memory_space<hbm>> -> memref<32768xi32, #tpu.memory_space<hbm>>
      %dma_start3A_18 = arith.constant 0 : i32
      %dma_start3A_19 = tpu.memref_slice %arg2[%dma_start3A_18] : memref<65536xi32, #tpu.memory_space<hbm>> -> memref<32768xi32, #tpu.memory_space<hbm>>
      tpu.enqueue_dma source(%dma_start3A_19 : memref<32768xi32, #tpu.memory_space<hbm>>) target(%arg4 : memref<32768xi32, #tpu.memory_space<vmem>>) target_semaphore(%run_scoped3A : memref<!tpu.dma_semaphore, #tpu.memory_space<semaphore_mem>>)
      %dma_wait3A = arith.constant 0 : i32
      %dma_wait3A_20 = tpu.memref_slice %arg2[%dma_wait3A] : memref<65536xi32, #tpu.memory_space<hbm>> -> memref<32768xi32, #tpu.memory_space<hbm>>
      %dma_wait3A_21 = arith.constant 0 : i32
      %dma_wait3A_22 = tpu.memref_slice %arg2[%dma_wait3A_21] : memref<65536xi32, #tpu.memory_space<hbm>> -> memref<32768xi32, #tpu.memory_space<hbm>>
      tpu.wait_dma2 semaphore(%run_scoped3A : memref<!tpu.dma_semaphore, #tpu.memory_space<semaphore_mem>>) src(%dma_wait3A_22 : memref<32768xi32, #tpu.memory_space<hbm>>) dst(%arg4 : memref<32768xi32, #tpu.memory_space<vmem>>)
      tpu.yield
    }) : () -> ()
    "tpu.region"() ({
      %run_scoped3A = tpu.sem_alloc : memref<!tpu.dma_semaphore, #tpu.memory_space<semaphore_mem>>
      %dma_start3A = arith.constant 32768 : i32
      %dma_start3A_17 = tpu.memref_slice %arg2[%dma_start3A] : memref<65536xi32, #tpu.memory_space<hbm>> -> memref<32768xi32, #tpu.memory_space<hbm>>
      %dma_start3A_18 = arith.constant 32768 : i32
      %dma_start3A_19 = tpu.memref_slice %arg2[%dma_start3A_18] : memref<65536xi32, #tpu.memory_space<hbm>> -> memref<32768xi32, #tpu.memory_space<hbm>>
      tpu.enqueue_dma source(%dma_start3A_19 : memref<32768xi32, #tpu.memory_space<hbm>>) target(%arg5 : memref<32768xi32, #tpu.memory_space<vmem>>) target_semaphore(%run_scoped3A : memref<!tpu.dma_semaphore, #tpu.memory_space<semaphore_mem>>)
      %dma_wait3A = arith.constant 32768 : i32
      %dma_wait3A_20 = tpu.memref_slice %arg2[%dma_wait3A] : memref<65536xi32, #tpu.memory_space<hbm>> -> memref<32768xi32, #tpu.memory_space<hbm>>
      %dma_wait3A_21 = arith.constant 32768 : i32
      %dma_wait3A_22 = tpu.memref_slice %arg2[%dma_wait3A_21] : memref<65536xi32, #tpu.memory_space<hbm>> -> memref<32768xi32, #tpu.memory_space<hbm>>
      tpu.wait_dma2 semaphore(%run_scoped3A : memref<!tpu.dma_semaphore, #tpu.memory_space<semaphore_mem>>) src(%dma_wait3A_22 : memref<32768xi32, #tpu.memory_space<hbm>>) dst(%arg5 : memref<32768xi32, #tpu.memory_space<vmem>>)
      tpu.yield
    }) : () -> ()
    %scan3A_10 = arith.constant 0 : i32
    %scan3A_11 = arith.constant 2048 : i32
    %scan3A_12 = arith.addi %scan3A_10, %scan3A_11 : i32
    %scan3A_13 = arith.constant 8 : i32
    scf.for %scan3A_17 = %scan3A_10 to %scan3A_12 step %scan3A_13  : i32 {
      %mul3A_18 = arith.constant 16 : i32
      %mul3A_19 = arith.muli %scan3A_17, %mul3A_18 : i32
      %add3A_20 = arith.constant 0 : i32
      %add3A_21 = arith.addi %add3A_20, %mul3A_19 : i32
      %get3A = arith.index_cast %add3A_21 : i32 to index
      %get3A_22 = tpu.vector_load %arg4[%get3A] {strides = array<i32>} : memref<32768xi32, #tpu.memory_space<vmem>>, vector<16xi32>,
      %get3A_23 = arith.index_cast %add3A_21 : i32 to index
      %get3A_24 = tpu.vector_load %arg5[%get3A_23] {strides = array<i32>} : memref<32768xi32, #tpu.memory_space<vmem>>, vector<16xi32>,
      %sub3A = vector.broadcast %mul3A_2 : i32 to vector<16xi32>
      %sub3A_25 = arith.subi %get3A_24, %sub3A : vector<16xi32>
      %ge3A = arith.constant 0 : i32
      %ge3A_26 = vector.broadcast %ge3A : i32 to vector<16xi32>
      %ge3A_27 = arith.cmpi sge, %sub3A_25, %ge3A_26 : vector<16xi32>
      %lt3A = arith.constant 32 : i32
      %lt3A_28 = vector.broadcast %lt3A : i32 to vector<16xi32>
      %lt3A_29 = arith.cmpi slt, %sub3A_25, %lt3A_28 : vector<16xi32>
      %and3A = arith.andi %ge3A_27, %lt3A_29 : vector<16xi1>
      %mul3A_30 = arith.constant 1024 : i32
      %mul3A_31 = vector.broadcast %mul3A_30 : i32 to vector<16xi32>
      %mul3A_32 = arith.muli %sub3A_25, %mul3A_31 : vector<16xi32>
      %add3A_33 = arith.addi %mul3A_32, %get3A_22 : vector<16xi32>
      %jit3A = arith.constant 0 : i32
      %broadcast_in_dim3A_34 = vector.broadcast %jit3A : i32 to vector<16xi32>
      %select_n3A = arith.select %and3A, %add3A_33, %broadcast_in_dim3A_34 : vector<16xi1>, vector<16xi32>
      tpu.vector_store_idx %arg6[%select_n3A], %broadcast_in_dim3A_3 masked %and3A {add = true} : memref<32768xf32, #tpu.memory_space<vmem>>[vector<16xi32>], vector<16xf32>, vector<16xi1>
      %scan3A_35 = arith.constant 1 : i32
      %scan3A_36 = arith.addi %scan3A_17, %scan3A_35 : i32
      %mul3A_37 = arith.constant 16 : i32
      %mul3A_38 = arith.muli %scan3A_36, %mul3A_37 : i32
      %add3A_39 = arith.constant 0 : i32
      %add3A_40 = arith.addi %add3A_39, %mul3A_38 : i32
      %get3A_41 = arith.index_cast %add3A_40 : i32 to index
      %get3A_42 = tpu.vector_load %arg4[%get3A_41] {strides = array<i32>} : memref<32768xi32, #tpu.memory_space<vmem>>, vector<16xi32>,
      %get3A_43 = arith.index_cast %add3A_40 : i32 to index
      %get3A_44 = tpu.vector_load %arg5[%get3A_43] {strides = array<i32>} : memref<32768xi32, #tpu.memory_space<vmem>>, vector<16xi32>,
      %sub3A_45 = vector.broadcast %mul3A_2 : i32 to vector<16xi32>
      %sub3A_46 = arith.subi %get3A_44, %sub3A_45 : vector<16xi32>
      %ge3A_47 = arith.constant 0 : i32
      %ge3A_48 = vector.broadcast %ge3A_47 : i32 to vector<16xi32>
      %ge3A_49 = arith.cmpi sge, %sub3A_46, %ge3A_48 : vector<16xi32>
      %lt3A_50 = arith.constant 32 : i32
      %lt3A_51 = vector.broadcast %lt3A_50 : i32 to vector<16xi32>
      %lt3A_52 = arith.cmpi slt, %sub3A_46, %lt3A_51 : vector<16xi32>
      %and3A_53 = arith.andi %ge3A_49, %lt3A_52 : vector<16xi1>
      %mul3A_54 = arith.constant 1024 : i32
      %mul3A_55 = vector.broadcast %mul3A_54 : i32 to vector<16xi32>
      %mul3A_56 = arith.muli %sub3A_46, %mul3A_55 : vector<16xi32>
      %add3A_57 = arith.addi %mul3A_56, %get3A_42 : vector<16xi32>
      %jit3A_58 = arith.constant 0 : i32
      %broadcast_in_dim3A_59 = vector.broadcast %jit3A_58 : i32 to vector<16xi32>
      %select_n3A_60 = arith.select %and3A_53, %add3A_57, %broadcast_in_dim3A_59 : vector<16xi1>, vector<16xi32>
      tpu.vector_store_idx %arg6[%select_n3A_60], %broadcast_in_dim3A_3 masked %and3A_53 {add = true} : memref<32768xf32, #tpu.memory_space<vmem>>[vector<16xi32>], vector<16xf32>, vector<16xi1>
      %scan3A_61 = arith.constant 2 : i32
      %scan3A_62 = arith.addi %scan3A_17, %scan3A_61 : i32
      %mul3A_63 = arith.constant 16 : i32
      %mul3A_64 = arith.muli %scan3A_62, %mul3A_63 : i32
      %add3A_65 = arith.constant 0 : i32
      %add3A_66 = arith.addi %add3A_65, %mul3A_64 : i32
      %get3A_67 = arith.index_cast %add3A_66 : i32 to index
      %get3A_68 = tpu.vector_load %arg4[%get3A_67] {strides = array<i32>} : memref<32768xi32, #tpu.memory_space<vmem>>, vector<16xi32>,
      %get3A_69 = arith.index_cast %add3A_66 : i32 to index
      %get3A_70 = tpu.vector_load %arg5[%get3A_69] {strides = array<i32>} : memref<32768xi32, #tpu.memory_space<vmem>>, vector<16xi32>,
      %sub3A_71 = vector.broadcast %mul3A_2 : i32 to vector<16xi32>
      %sub3A_72 = arith.subi %get3A_70, %sub3A_71 : vector<16xi32>
      %ge3A_73 = arith.constant 0 : i32
      %ge3A_74 = vector.broadcast %ge3A_73 : i32 to vector<16xi32>
      %ge3A_75 = arith.cmpi sge, %sub3A_72, %ge3A_74 : vector<16xi32>
      %lt3A_76 = arith.constant 32 : i32
      %lt3A_77 = vector.broadcast %lt3A_76 : i32 to vector<16xi32>
      %lt3A_78 = arith.cmpi slt, %sub3A_72, %lt3A_77 : vector<16xi32>
      %and3A_79 = arith.andi %ge3A_75, %lt3A_78 : vector<16xi1>
      %mul3A_80 = arith.constant 1024 : i32
      %mul3A_81 = vector.broadcast %mul3A_80 : i32 to vector<16xi32>
      %mul3A_82 = arith.muli %sub3A_72, %mul3A_81 : vector<16xi32>
      %add3A_83 = arith.addi %mul3A_82, %get3A_68 : vector<16xi32>
      %jit3A_84 = arith.constant 0 : i32
      %broadcast_in_dim3A_85 = vector.broadcast %jit3A_84 : i32 to vector<16xi32>
      %select_n3A_86 = arith.select %and3A_79, %add3A_83, %broadcast_in_dim3A_85 : vector<16xi1>, vector<16xi32>
      tpu.vector_store_idx %arg6[%select_n3A_86], %broadcast_in_dim3A_3 masked %and3A_79 {add = true} : memref<32768xf32, #tpu.memory_space<vmem>>[vector<16xi32>], vector<16xf32>, vector<16xi1>
      %scan3A_87 = arith.constant 3 : i32
      %scan3A_88 = arith.addi %scan3A_17, %scan3A_87 : i32
      %mul3A_89 = arith.constant 16 : i32
      %mul3A_90 = arith.muli %scan3A_88, %mul3A_89 : i32
      %add3A_91 = arith.constant 0 : i32
      %add3A_92 = arith.addi %add3A_91, %mul3A_90 : i32
      %get3A_93 = arith.index_cast %add3A_92 : i32 to index
      %get3A_94 = tpu.vector_load %arg4[%get3A_93] {strides = array<i32>} : memref<32768xi32, #tpu.memory_space<vmem>>, vector<16xi32>,
      %get3A_95 = arith.index_cast %add3A_92 : i32 to index
      %get3A_96 = tpu.vector_load %arg5[%get3A_95] {strides = array<i32>} : memref<32768xi32, #tpu.memory_space<vmem>>, vector<16xi32>,
      %sub3A_97 = vector.broadcast %mul3A_2 : i32 to vector<16xi32>
      %sub3A_98 = arith.subi %get3A_96, %sub3A_97 : vector<16xi32>
      %ge3A_99 = arith.constant 0 : i32
      %ge3A_100 = vector.broadcast %ge3A_99 : i32 to vector<16xi32>
      %ge3A_101 = arith.cmpi sge, %sub3A_98, %ge3A_100 : vector<16xi32>
      %lt3A_102 = arith.constant 32 : i32
      %lt3A_103 = vector.broadcast %lt3A_102 : i32 to vector<16xi32>
      %lt3A_104 = arith.cmpi slt, %sub3A_98, %lt3A_103 : vector<16xi32>
      %and3A_105 = arith.andi %ge3A_101, %lt3A_104 : vector<16xi1>
      %mul3A_106 = arith.constant 1024 : i32
      %mul3A_107 = vector.broadcast %mul3A_106 : i32 to vector<16xi32>
      %mul3A_108 = arith.muli %sub3A_98, %mul3A_107 : vector<16xi32>
      %add3A_109 = arith.addi %mul3A_108, %get3A_94 : vector<16xi32>
      %jit3A_110 = arith.constant 0 : i32
      %broadcast_in_dim3A_111 = vector.broadcast %jit3A_110 : i32 to vector<16xi32>
      %select_n3A_112 = arith.select %and3A_105, %add3A_109, %broadcast_in_dim3A_111 : vector<16xi1>, vector<16xi32>
      tpu.vector_store_idx %arg6[%select_n3A_112], %broadcast_in_dim3A_3 masked %and3A_105 {add = true} : memref<32768xf32, #tpu.memory_space<vmem>>[vector<16xi32>], vector<16xf32>, vector<16xi1>
      %scan3A_113 = arith.constant 4 : i32
      %scan3A_114 = arith.addi %scan3A_17, %scan3A_113 : i32
      %mul3A_115 = arith.constant 16 : i32
      %mul3A_116 = arith.muli %scan3A_114, %mul3A_115 : i32
      %add3A_117 = arith.constant 0 : i32
      %add3A_118 = arith.addi %add3A_117, %mul3A_116 : i32
      %get3A_119 = arith.index_cast %add3A_118 : i32 to index
      %get3A_120 = tpu.vector_load %arg4[%get3A_119] {strides = array<i32>} : memref<32768xi32, #tpu.memory_space<vmem>>, vector<16xi32>,
      %get3A_121 = arith.index_cast %add3A_118 : i32 to index
      %get3A_122 = tpu.vector_load %arg5[%get3A_121] {strides = array<i32>} : memref<32768xi32, #tpu.memory_space<vmem>>, vector<16xi32>,
      %sub3A_123 = vector.broadcast %mul3A_2 : i32 to vector<16xi32>
      %sub3A_124 = arith.subi %get3A_122, %sub3A_123 : vector<16xi32>
      %ge3A_125 = arith.constant 0 : i32
      %ge3A_126 = vector.broadcast %ge3A_125 : i32 to vector<16xi32>
      %ge3A_127 = arith.cmpi sge, %sub3A_124, %ge3A_126 : vector<16xi32>
      %lt3A_128 = arith.constant 32 : i32
      %lt3A_129 = vector.broadcast %lt3A_128 : i32 to vector<16xi32>
      %lt3A_130 = arith.cmpi slt, %sub3A_124, %lt3A_129 : vector<16xi32>
      %and3A_131 = arith.andi %ge3A_127, %lt3A_130 : vector<16xi1>
      %mul3A_132 = arith.constant 1024 : i32
      %mul3A_133 = vector.broadcast %mul3A_132 : i32 to vector<16xi32>
      %mul3A_134 = arith.muli %sub3A_124, %mul3A_133 : vector<16xi32>
      %add3A_135 = arith.addi %mul3A_134, %get3A_120 : vector<16xi32>
      %jit3A_136 = arith.constant 0 : i32
      %broadcast_in_dim3A_137 = vector.broadcast %jit3A_136 : i32 to vector<16xi32>
      %select_n3A_138 = arith.select %and3A_131, %add3A_135, %broadcast_in_dim3A_137 : vector<16xi1>, vector<16xi32>
      tpu.vector_store_idx %arg6[%select_n3A_138], %broadcast_in_dim3A_3 masked %and3A_131 {add = true} : memref<32768xf32, #tpu.memory_space<vmem>>[vector<16xi32>], vector<16xf32>, vector<16xi1>
      %scan3A_139 = arith.constant 5 : i32
      %scan3A_140 = arith.addi %scan3A_17, %scan3A_139 : i32
      %mul3A_141 = arith.constant 16 : i32
      %mul3A_142 = arith.muli %scan3A_140, %mul3A_141 : i32
      %add3A_143 = arith.constant 0 : i32
      %add3A_144 = arith.addi %add3A_143, %mul3A_142 : i32
      %get3A_145 = arith.index_cast %add3A_144 : i32 to index
      %get3A_146 = tpu.vector_load %arg4[%get3A_145] {strides = array<i32>} : memref<32768xi32, #tpu.memory_space<vmem>>, vector<16xi32>,
      %get3A_147 = arith.index_cast %add3A_144 : i32 to index
      %get3A_148 = tpu.vector_load %arg5[%get3A_147] {strides = array<i32>} : memref<32768xi32, #tpu.memory_space<vmem>>, vector<16xi32>,
      %sub3A_149 = vector.broadcast %mul3A_2 : i32 to vector<16xi32>
      %sub3A_150 = arith.subi %get3A_148, %sub3A_149 : vector<16xi32>
      %ge3A_151 = arith.constant 0 : i32
      %ge3A_152 = vector.broadcast %ge3A_151 : i32 to vector<16xi32>
      %ge3A_153 = arith.cmpi sge, %sub3A_150, %ge3A_152 : vector<16xi32>
      %lt3A_154 = arith.constant 32 : i32
      %lt3A_155 = vector.broadcast %lt3A_154 : i32 to vector<16xi32>
      %lt3A_156 = arith.cmpi slt, %sub3A_150, %lt3A_155 : vector<16xi32>
      %and3A_157 = arith.andi %ge3A_153, %lt3A_156 : vector<16xi1>
      %mul3A_158 = arith.constant 1024 : i32
      %mul3A_159 = vector.broadcast %mul3A_158 : i32 to vector<16xi32>
      %mul3A_160 = arith.muli %sub3A_150, %mul3A_159 : vector<16xi32>
      %add3A_161 = arith.addi %mul3A_160, %get3A_146 : vector<16xi32>
      %jit3A_162 = arith.constant 0 : i32
      %broadcast_in_dim3A_163 = vector.broadcast %jit3A_162 : i32 to vector<16xi32>
      %select_n3A_164 = arith.select %and3A_157, %add3A_161, %broadcast_in_dim3A_163 : vector<16xi1>, vector<16xi32>
      tpu.vector_store_idx %arg6[%select_n3A_164], %broadcast_in_dim3A_3 masked %and3A_157 {add = true} : memref<32768xf32, #tpu.memory_space<vmem>>[vector<16xi32>], vector<16xf32>, vector<16xi1>
      %scan3A_165 = arith.constant 6 : i32
      %scan3A_166 = arith.addi %scan3A_17, %scan3A_165 : i32
      %mul3A_167 = arith.constant 16 : i32
      %mul3A_168 = arith.muli %scan3A_166, %mul3A_167 : i32
      %add3A_169 = arith.constant 0 : i32
      %add3A_170 = arith.addi %add3A_169, %mul3A_168 : i32
      %get3A_171 = arith.index_cast %add3A_170 : i32 to index
      %get3A_172 = tpu.vector_load %arg4[%get3A_171] {strides = array<i32>} : memref<32768xi32, #tpu.memory_space<vmem>>, vector<16xi32>,
      %get3A_173 = arith.index_cast %add3A_170 : i32 to index
      %get3A_174 = tpu.vector_load %arg5[%get3A_173] {strides = array<i32>} : memref<32768xi32, #tpu.memory_space<vmem>>, vector<16xi32>,
      %sub3A_175 = vector.broadcast %mul3A_2 : i32 to vector<16xi32>
      %sub3A_176 = arith.subi %get3A_174, %sub3A_175 : vector<16xi32>
      %ge3A_177 = arith.constant 0 : i32
      %ge3A_178 = vector.broadcast %ge3A_177 : i32 to vector<16xi32>
      %ge3A_179 = arith.cmpi sge, %sub3A_176, %ge3A_178 : vector<16xi32>
      %lt3A_180 = arith.constant 32 : i32
      %lt3A_181 = vector.broadcast %lt3A_180 : i32 to vector<16xi32>
      %lt3A_182 = arith.cmpi slt, %sub3A_176, %lt3A_181 : vector<16xi32>
      %and3A_183 = arith.andi %ge3A_179, %lt3A_182 : vector<16xi1>
      %mul3A_184 = arith.constant 1024 : i32
      %mul3A_185 = vector.broadcast %mul3A_184 : i32 to vector<16xi32>
      %mul3A_186 = arith.muli %sub3A_176, %mul3A_185 : vector<16xi32>
      %add3A_187 = arith.addi %mul3A_186, %get3A_172 : vector<16xi32>
      %jit3A_188 = arith.constant 0 : i32
      %broadcast_in_dim3A_189 = vector.broadcast %jit3A_188 : i32 to vector<16xi32>
      %select_n3A_190 = arith.select %and3A_183, %add3A_187, %broadcast_in_dim3A_189 : vector<16xi1>, vector<16xi32>
      tpu.vector_store_idx %arg6[%select_n3A_190], %broadcast_in_dim3A_3 masked %and3A_183 {add = true} : memref<32768xf32, #tpu.memory_space<vmem>>[vector<16xi32>], vector<16xf32>, vector<16xi1>
      %scan3A_191 = arith.constant 7 : i32
      %scan3A_192 = arith.addi %scan3A_17, %scan3A_191 : i32
      %mul3A_193 = arith.constant 16 : i32
      %mul3A_194 = arith.muli %scan3A_192, %mul3A_193 : i32
      %add3A_195 = arith.constant 0 : i32
      %add3A_196 = arith.addi %add3A_195, %mul3A_194 : i32
      %get3A_197 = arith.index_cast %add3A_196 : i32 to index
      %get3A_198 = tpu.vector_load %arg4[%get3A_197] {strides = array<i32>} : memref<32768xi32, #tpu.memory_space<vmem>>, vector<16xi32>,
      %get3A_199 = arith.index_cast %add3A_196 : i32 to index
      %get3A_200 = tpu.vector_load %arg5[%get3A_199] {strides = array<i32>} : memref<32768xi32, #tpu.memory_space<vmem>>, vector<16xi32>,
      %sub3A_201 = vector.broadcast %mul3A_2 : i32 to vector<16xi32>
      %sub3A_202 = arith.subi %get3A_200, %sub3A_201 : vector<16xi32>
      %ge3A_203 = arith.constant 0 : i32
      %ge3A_204 = vector.broadcast %ge3A_203 : i32 to vector<16xi32>
      %ge3A_205 = arith.cmpi sge, %sub3A_202, %ge3A_204 : vector<16xi32>
      %lt3A_206 = arith.constant 32 : i32
      %lt3A_207 = vector.broadcast %lt3A_206 : i32 to vector<16xi32>
      %lt3A_208 = arith.cmpi slt, %sub3A_202, %lt3A_207 : vector<16xi32>
      %and3A_209 = arith.andi %ge3A_205, %lt3A_208 : vector<16xi1>
      %mul3A_210 = arith.constant 1024 : i32
      %mul3A_211 = vector.broadcast %mul3A_210 : i32 to vector<16xi32>
      %mul3A_212 = arith.muli %sub3A_202, %mul3A_211 : vector<16xi32>
      %add3A_213 = arith.addi %mul3A_212, %get3A_198 : vector<16xi32>
      %jit3A_214 = arith.constant 0 : i32
      %broadcast_in_dim3A_215 = vector.broadcast %jit3A_214 : i32 to vector<16xi32>
      %select_n3A_216 = arith.select %and3A_209, %add3A_213, %broadcast_in_dim3A_215 : vector<16xi1>, vector<16xi32>
      tpu.vector_store_idx %arg6[%select_n3A_216], %broadcast_in_dim3A_3 masked %and3A_209 {add = true} : memref<32768xf32, #tpu.memory_space<vmem>>[vector<16xi32>], vector<16xf32>, vector<16xi1>
    }
    %scan3A_14 = arith.constant 2048 : i32
    %mul3A_15 = arith.constant 1024 : i32
    %mul3A_16 = arith.muli %mul3A_2, %mul3A_15 : i32
    "tpu.region"() ({
      %run_scoped3A = tpu.sem_alloc : memref<!tpu.dma_semaphore, #tpu.memory_space<semaphore_mem>>
      %dma_start3A = tpu.memref_slice %arg3[%mul3A_16] : memref<1048576xf32, #tpu.memory_space<hbm>> -> memref<32768xf32, #tpu.memory_space<hbm>>
      %dma_start3A_17 = tpu.memref_slice %arg3[%mul3A_16] : memref<1048576xf32, #tpu.memory_space<hbm>> -> memref<32768xf32, #tpu.memory_space<hbm>>
      tpu.enqueue_dma source(%arg6 : memref<32768xf32, #tpu.memory_space<vmem>>) target(%dma_start3A_17 : memref<32768xf32, #tpu.memory_space<hbm>>) target_semaphore(%run_scoped3A : memref<!tpu.dma_semaphore, #tpu.memory_space<semaphore_mem>>)
      %dma_wait3A = tpu.memref_slice %arg3[%mul3A_16] : memref<1048576xf32, #tpu.memory_space<hbm>> -> memref<32768xf32, #tpu.memory_space<hbm>>
      %dma_wait3A_18 = tpu.memref_slice %arg3[%mul3A_16] : memref<1048576xf32, #tpu.memory_space<hbm>> -> memref<32768xf32, #tpu.memory_space<hbm>>
      tpu.wait_dma2 semaphore(%run_scoped3A : memref<!tpu.dma_semaphore, #tpu.memory_space<semaphore_mem>>) src(%arg6 : memref<32768xf32, #tpu.memory_space<vmem>>) dst(%dma_wait3A_18 : memref<32768xf32, #tpu.memory_space<hbm>>)
      tpu.yield
    }) : () -> ()
    return
  }
}

module attributes {stable_mosaic.version = 14 : i64} {
  func.func @_gat_body(%arg0: i32, %arg1: memref<1024x256xf32, #tpu.memory_space<vmem>>, %arg2: memref<1x256x64xf32, #tpu.memory_space<vmem>>, %arg3: memref<1x1x64xf32, #tpu.memory_space<vmem>>, %arg4: memref<1x1x64xf32, #tpu.memory_space<vmem>>, %arg5: memref<1x1024x1024xf32, #tpu.memory_space<vmem>>, %arg6: memref<1x1024x64xf32, #tpu.memory_space<vmem>>) attributes {dimension_semantics = [#tpu.dimension_semantics<arbitrary>], iteration_bounds = array<i64: 12>, scalar_prefetch = 0 : i64, scratch_operands = 0 : i64, tpu.core_type = #tpu.core_type<tc>, window_params = [{pipeline_mode = #tpu.pipeline_mode<synchronous>, transform_indices = @transform_0, window_bounds = array<i64: 1024, 256>}, {transform_indices = @transform_1, window_bounds = array<i64: 1, 256, 64>}, {transform_indices = @transform_2, window_bounds = array<i64: 1, 1, 64>}, {transform_indices = @transform_3, window_bounds = array<i64: 1, 1, 64>}, {pipeline_mode = #tpu.pipeline_mode<synchronous>, transform_indices = @transform_4, window_bounds = array<i64: 1, 1024, 1024>}, {pipeline_mode = #tpu.pipeline_mode<synchronous>, transform_indices = @transform_5, window_bounds = array<i64: 1, 1024, 64>}]} {
    %get3A = arith.constant 0 : index
    %get3A_0 = arith.constant 0 : index
    %get3A_1 = vector.load %arg1[%get3A, %get3A_0] : memref<1024x256xf32, #tpu.memory_space<vmem>>, vector<1024x256xf32>
    %get3A_2 = arith.constant 0 : index
    %get3A_3 = arith.constant 0 : index
    %get3A_4 = arith.constant 0 : index
    %get3A_5 = vector.load %arg2[%get3A_2, %get3A_3, %get3A_4] : memref<1x256x64xf32, #tpu.memory_space<vmem>>, vector<1x256x64xf32>
    %get3A_6 = vector.shape_cast %get3A_5 : vector<1x256x64xf32> to vector<256x64xf32>
    %dot_general3A = arith.constant dense<0.000000e+00> : vector<1024x64xf32>
    %dot_general3A_7 = tpu.matmul %get3A_1, %get3A_6, %dot_general3A {dimension_numbers = #tpu.dot_dimension_numbers<[1], [0], [0], [1], [0, 0, 1, 1], [], []>, transpose_lhs_hint = false} : vector<1024x256xf32>, vector<256x64xf32>, vector<1024x64xf32> -> vector<1024x64xf32>
    %get3A_8 = arith.constant 0 : index
    %get3A_9 = arith.constant 0 : index
    %get3A_10 = arith.constant 0 : index
    %get3A_11 = vector.load %arg3[%get3A_8, %get3A_9, %get3A_10] : memref<1x1x64xf32, #tpu.memory_space<vmem>>, vector<1x1x64xf32>
    %get3A_12 = vector.shape_cast %get3A_11 : vector<1x1x64xf32> to vector<1x64xf32>
    %dot_general3A_13 = arith.constant dense<0.000000e+00> : vector<1x1024xf32>
    %dot_general3A_14 = tpu.matmul %get3A_12, %dot_general3A_7, %dot_general3A_13 {dimension_numbers = #tpu.dot_dimension_numbers<[1], [1], [0], [0], [0, 0, 1, 0], [], []>, precision = #tpu.contract_precision<fp32>, transpose_lhs_hint = false} : vector<1x64xf32>, vector<1024x64xf32>, vector<1x1024xf32> -> vector<1x1024xf32>
    %get3A_15 = arith.constant 0 : index
    %get3A_16 = arith.constant 0 : index
    %get3A_17 = arith.constant 0 : index
    %get3A_18 = vector.load %arg4[%get3A_15, %get3A_16, %get3A_17] : memref<1x1x64xf32, #tpu.memory_space<vmem>>, vector<1x1x64xf32>
    %get3A_19 = vector.shape_cast %get3A_18 : vector<1x1x64xf32> to vector<1x64xf32>
    %reshape3A = vector.shape_cast %get3A_19 : vector<1x64xf32> to vector<64x1xf32>
    %dot_general3A_20 = arith.constant dense<0.000000e+00> : vector<1024x1xf32>
    %dot_general3A_21 = tpu.matmul %dot_general3A_7, %reshape3A, %dot_general3A_20 {dimension_numbers = #tpu.dot_dimension_numbers<[1], [0], [0], [1], [0, 0, 1, 1], [], []>, precision = #tpu.contract_precision<fp32>, transpose_lhs_hint = false} : vector<1024x64xf32>, vector<64x1xf32>, vector<1024x1xf32> -> vector<1024x1xf32>
    %add3A = vector.broadcast %dot_general3A_21 : vector<1024x1xf32> to vector<1024x1024xf32>
    %add3A_22 = vector.broadcast %dot_general3A_14 : vector<1x1024xf32> to vector<1024x1024xf32>
    %add3A_23 = arith.addf %add3A, %add3A_22 : vector<1024x1024xf32>
    %mul3A = arith.constant 2.000000e-01 : f32
    %mul3A_24 = vector.broadcast %mul3A : f32 to vector<1024x1024xf32>
    %mul3A_25 = arith.mulf %mul3A_24, %add3A_23 : vector<1024x1024xf32>
    %max3A = arith.maximumf %add3A_23, %mul3A_25 : vector<1024x1024xf32>
    %get3A_26 = arith.constant 0 : index
    %get3A_27 = arith.constant 0 : index
    %get3A_28 = arith.constant 0 : index
    %get3A_29 = vector.load %arg5[%get3A_26, %get3A_27, %get3A_28] : memref<1x1024x1024xf32, #tpu.memory_space<vmem>>, vector<1x1024x1024xf32>
    %get3A_30 = vector.shape_cast %get3A_29 : vector<1x1024x1024xf32> to vector<1024x1024xf32>
    %exp3A = math.exp %max3A : vector<1024x1024xf32>
    %mul3A_31 = arith.mulf %get3A_30, %exp3A : vector<1024x1024xf32>
    %broadcast_in_dim3A = arith.constant 1.000000e+00 : f32
    %broadcast_in_dim3A_32 = vector.broadcast %broadcast_in_dim3A : f32 to vector<1024x1xf32>
    %concatenate3A = tpu.concatenate %dot_general3A_7, %broadcast_in_dim3A_32 in 1 : vector<1024x64xf32>, vector<1024x1xf32> -> vector<1024x65xf32>
    %convert_element_type3A = arith.truncf %mul3A_31 : vector<1024x1024xf32> to vector<1024x1024xbf16>
    %convert_element_type3A_33 = arith.extf %convert_element_type3A : vector<1024x1024xbf16> to vector<1024x1024xf32>
    %sub3A = arith.subf %mul3A_31, %convert_element_type3A_33 : vector<1024x1024xf32>
    %convert_element_type3A_34 = arith.truncf %sub3A : vector<1024x1024xf32> to vector<1024x1024xbf16>
    %convert_element_type3A_35 = arith.truncf %concatenate3A : vector<1024x65xf32> to vector<1024x65xbf16>
    %convert_element_type3A_36 = arith.extf %convert_element_type3A_35 : vector<1024x65xbf16> to vector<1024x65xf32>
    %sub3A_37 = arith.subf %concatenate3A, %convert_element_type3A_36 : vector<1024x65xf32>
    %convert_element_type3A_38 = arith.truncf %sub3A_37 : vector<1024x65xf32> to vector<1024x65xbf16>
    %dot_general3A_39 = arith.constant dense<0.000000e+00> : vector<1024x65xf32>
    %dot_general3A_40 = tpu.matmul %convert_element_type3A, %convert_element_type3A_35, %dot_general3A_39 {dimension_numbers = #tpu.dot_dimension_numbers<[1], [0], [0], [1], [0, 0, 1, 1], [], []>, transpose_lhs_hint = false} : vector<1024x1024xbf16>, vector<1024x65xbf16>, vector<1024x65xf32> -> vector<1024x65xf32>
    %dot_general3A_41 = arith.constant dense<0.000000e+00> : vector<1024x65xf32>
    %dot_general3A_42 = tpu.matmul %convert_element_type3A, %convert_element_type3A_38, %dot_general3A_41 {dimension_numbers = #tpu.dot_dimension_numbers<[1], [0], [0], [1], [0, 0, 1, 1], [], []>, transpose_lhs_hint = false} : vector<1024x1024xbf16>, vector<1024x65xbf16>, vector<1024x65xf32> -> vector<1024x65xf32>
    %add3A_43 = arith.addf %dot_general3A_40, %dot_general3A_42 : vector<1024x65xf32>
    %dot_general3A_44 = arith.constant dense<0.000000e+00> : vector<1024x65xf32>
    %dot_general3A_45 = tpu.matmul %convert_element_type3A_34, %convert_element_type3A_35, %dot_general3A_44 {dimension_numbers = #tpu.dot_dimension_numbers<[1], [0], [0], [1], [0, 0, 1, 1], [], []>, transpose_lhs_hint = false} : vector<1024x1024xbf16>, vector<1024x65xbf16>, vector<1024x65xf32> -> vector<1024x65xf32>
    %add3A_46 = arith.addf %add3A_43, %dot_general3A_45 : vector<1024x65xf32>
    %slice3A = vector.extract_strided_slice %add3A_46 {offsets = [0, 0], sizes = [1024, 64], strides = [1, 1]} : vector<1024x65xf32> to vector<1024x64xf32>
    %slice3A_47 = vector.extract_strided_slice %add3A_46 {offsets = [0, 64], sizes = [1024, 1], strides = [1, 1]} : vector<1024x65xf32> to vector<1024x1xf32>
    %add3A_48 = arith.constant 9.99999971E-10 : f32
    %add3A_49 = vector.broadcast %add3A_48 : f32 to vector<1024x1xf32>
    %add3A_50 = arith.addf %slice3A_47, %add3A_49 : vector<1024x1xf32>
    %div3A = vector.broadcast %add3A_50 : vector<1024x1xf32> to vector<1024x64xf32>
    %div3A_51 = arith.divf %slice3A, %div3A : vector<1024x64xf32>
    %max3A_52 = arith.constant 0.000000e+00 : f32
    %max3A_53 = vector.broadcast %max3A_52 : f32 to vector<1024x64xf32>
    %max3A_54 = arith.maximumf %div3A_51, %max3A_53 : vector<1024x64xf32>
    %mul3A_55 = arith.constant 0.0833333358 : f32
    %mul3A_56 = vector.broadcast %mul3A_55 : f32 to vector<1024x64xf32>
    %mul3A_57 = arith.mulf %max3A_54, %mul3A_56 : vector<1024x64xf32>
    %eq3A = arith.constant 0 : i32
    %eq3A_58 = arith.cmpi eq, %arg0, %eq3A : i32
    %convert_element_type3A_59 = arith.extui %eq3A_58 : i1 to i32
    %cond3A = arith.constant 0 : i32
    %cond3A_60 = arith.cmpi ne, %convert_element_type3A_59, %cond3A : i32
    scf.if %cond3A_60 {
      %swap3A = arith.constant 0 : index
      %swap3A_65 = arith.constant 0 : index
      %swap3A_66 = arith.constant 0 : index
      %swap3A_67 = vector.load %arg6[%swap3A, %swap3A_65, %swap3A_66] : memref<1x1024x64xf32, #tpu.memory_space<vmem>>, vector<1x1024x64xf32>
      %swap3A_68 = vector.shape_cast %swap3A_67 : vector<1x1024x64xf32> to vector<1024x64xf32>
      %swap3A_69 = vector.shape_cast %mul3A_57 : vector<1024x64xf32> to vector<1x1024x64xf32>
      tpu.vector_store %arg6[%swap3A, %swap3A_65, %swap3A_66], %swap3A_69 {strides = array<i32>} : memref<1x1024x64xf32, #tpu.memory_space<vmem>>, vector<1x1024x64xf32>,
    } else {
    }
    %ne3A = arith.constant 0 : i32
    %ne3A_61 = arith.cmpi ne, %arg0, %ne3A : i32
    %convert_element_type3A_62 = arith.extui %ne3A_61 : i1 to i32
    %cond3A_63 = arith.constant 0 : i32
    %cond3A_64 = arith.cmpi ne, %convert_element_type3A_62, %cond3A_63 : i32
    scf.if %cond3A_64 {
      %get3A_65 = arith.constant 0 : index
      %get3A_66 = arith.constant 0 : index
      %get3A_67 = arith.constant 0 : index
      %get3A_68 = vector.load %arg6[%get3A_65, %get3A_66, %get3A_67] : memref<1x1024x64xf32, #tpu.memory_space<vmem>>, vector<1x1024x64xf32>
      %get3A_69 = vector.shape_cast %get3A_68 : vector<1x1024x64xf32> to vector<1024x64xf32>
      %add3A_70 = arith.addf %get3A_69, %mul3A_57 : vector<1024x64xf32>
      %swap3A = arith.constant 0 : index
      %swap3A_71 = arith.constant 0 : index
      %swap3A_72 = arith.constant 0 : index
      %swap3A_73 = vector.load %arg6[%swap3A, %swap3A_71, %swap3A_72] : memref<1x1024x64xf32, #tpu.memory_space<vmem>>, vector<1x1024x64xf32>
      %swap3A_74 = vector.shape_cast %swap3A_73 : vector<1x1024x64xf32> to vector<1024x64xf32>
      %swap3A_75 = vector.shape_cast %add3A_70 : vector<1024x64xf32> to vector<1x1024x64xf32>
      tpu.vector_store %arg6[%swap3A, %swap3A_71, %swap3A_72], %swap3A_75 {strides = array<i32>} : memref<1x1024x64xf32, #tpu.memory_space<vmem>>, vector<1x1024x64xf32>,
    } else {
    }
    return
  }
  func.func @transform_0(%arg0: i32) -> (i32, i32) {
    %c0_i32 = arith.constant 0 : i32
    %c0_i32_0 = arith.constant 0 : i32
    %c0_i32_1 = arith.constant 0 : i32
    return %c0_i32, %c0_i32_0 : i32, i32
  }
  func.func @transform_1(%arg0: i32) -> (i32, i32, i32) {
    %c0_i32 = arith.constant 0 : i32
    %c0_i32_0 = arith.constant 0 : i32
    %c0_i32_1 = arith.constant 0 : i32
    return %arg0, %c0_i32, %c0_i32_0 : i32, i32, i32
  }
  func.func @transform_2(%arg0: i32) -> (i32, i32, i32) {
    %c0_i32 = arith.constant 0 : i32
    %c0_i32_0 = arith.constant 0 : i32
    %c0_i32_1 = arith.constant 0 : i32
    return %arg0, %c0_i32, %c0_i32_0 : i32, i32, i32
  }
  func.func @transform_3(%arg0: i32) -> (i32, i32, i32) {
    %c0_i32 = arith.constant 0 : i32
    %c0_i32_0 = arith.constant 0 : i32
    %c0_i32_1 = arith.constant 0 : i32
    return %arg0, %c0_i32, %c0_i32_0 : i32, i32, i32
  }
  func.func @transform_4(%arg0: i32) -> (i32, i32, i32) {
    %c0_i32 = arith.constant 0 : i32
    %c0_i32_0 = arith.constant 0 : i32
    %c0_i32_1 = arith.constant 0 : i32
    %c0_i32_2 = arith.constant 0 : i32
    return %c0_i32, %c0_i32_0, %c0_i32_1 : i32, i32, i32
  }
  func.func @transform_5(%arg0: i32) -> (i32, i32, i32) {
    %c0_i32 = arith.constant 0 : i32
    %c0_i32_0 = arith.constant 0 : i32
    %c0_i32_1 = arith.constant 0 : i32
    %c0_i32_2 = arith.constant 0 : i32
    return %c0_i32, %c0_i32_0, %c0_i32_1 : i32, i32, i32
  }
}

module attributes {stable_mosaic.version = 14 : i64} {
  func.func @_fuse_body(%arg0: memref<3x1024x64xf32, #tpu.memory_space<vmem>>, %arg1: memref<64x48xf32, #tpu.memory_space<vmem>>, %arg2: memref<64x48xf32, #tpu.memory_space<vmem>>, %arg3: memref<1024x64xf32, #tpu.memory_space<vmem>>, %arg4: memref<1x1xf32, #tpu.memory_space<vmem>>, %arg5: memref<3x1024x64xf32, #tpu.memory_space<vmem>>) attributes {dimension_semantics = [], scalar_prefetch = 0 : i64, scratch_operands = 0 : i64, tpu.core_type = #tpu.core_type<tc>} {
    %get3A = arith.constant 0 : index
    %get3A_0 = arith.constant 0 : index
    %get3A_1 = vector.load %arg3[%get3A, %get3A_0] : memref<1024x64xf32, #tpu.memory_space<vmem>>, vector<1024x64xf32>
    %convert_element_type3A = arith.truncf %get3A_1 : vector<1024x64xf32> to vector<1024x64xbf16>
    %convert_element_type3A_2 = arith.extf %convert_element_type3A : vector<1024x64xbf16> to vector<1024x64xf32>
    %get3A_3 = arith.constant 0 : index
    %get3A_4 = arith.constant 0 : index
    %get3A_5 = arith.constant 0 : index
    %get3A_6 = vector.load %arg0[%get3A_3, %get3A_4, %get3A_5] : memref<3x1024x64xf32, #tpu.memory_space<vmem>>, vector<1x1024x64xf32>
    %get3A_7 = vector.shape_cast %get3A_6 : vector<1x1024x64xf32> to vector<1024x64xf32>
    %get3A_8 = arith.constant 0 : index
    %get3A_9 = arith.constant 0 : index
    %get3A_10 = vector.load %arg1[%get3A_8, %get3A_9] : memref<64x48xf32, #tpu.memory_space<vmem>>, vector<64x48xf32>
    %dot_general3A = arith.constant dense<0.000000e+00> : vector<1024x48xf32>
    %dot_general3A_11 = tpu.matmul %get3A_7, %get3A_10, %dot_general3A {dimension_numbers = #tpu.dot_dimension_numbers<[1], [0], [0], [1], [0, 0, 1, 1], [], []>, transpose_lhs_hint = false} : vector<1024x64xf32>, vector<64x48xf32>, vector<1024x48xf32> -> vector<1024x48xf32>
    %get3A_12 = arith.constant 0 : index
    %get3A_13 = arith.constant 0 : index
    %get3A_14 = vector.load %arg2[%get3A_12, %get3A_13] : memref<64x48xf32, #tpu.memory_space<vmem>>, vector<64x48xf32>
    %dot_general3A_15 = arith.constant dense<0.000000e+00> : vector<1024x48xf32>
    %dot_general3A_16 = tpu.matmul %get3A_7, %get3A_14, %dot_general3A_15 {dimension_numbers = #tpu.dot_dimension_numbers<[1], [0], [0], [1], [0, 0, 1, 1], [], []>, transpose_lhs_hint = false} : vector<1024x64xf32>, vector<64x48xf32>, vector<1024x48xf32> -> vector<1024x48xf32>
    %dot_general3A_17 = arith.constant dense<0.000000e+00> : vector<1024x1024xf32>
    %dot_general3A_18 = tpu.matmul %dot_general3A_11, %dot_general3A_16, %dot_general3A_17 {dimension_numbers = #tpu.dot_dimension_numbers<[1], [1], [0], [0], [0, 0, 1, 0], [], []>, transpose_lhs_hint = false} : vector<1024x48xf32>, vector<1024x48xf32>, vector<1024x1024xf32> -> vector<1024x1024xf32>
    %div3A = arith.constant 0.216506347 : f32
    %div3A_19 = vector.broadcast %div3A : f32 to vector<1024x1024xf32>
    %div3A_20 = arith.divf %dot_general3A_18, %div3A_19 : vector<1024x1024xf32>
    %dot_general3A_21 = arith.constant dense<0.000000e+00> : vector<1024x64xf32>
    %dot_general3A_22 = tpu.matmul %div3A_20, %get3A_7, %dot_general3A_21 {dimension_numbers = #tpu.dot_dimension_numbers<[1], [0], [0], [1], [0, 0, 1, 1], [], []>, transpose_lhs_hint = false} : vector<1024x1024xf32>, vector<1024x64xf32>, vector<1024x64xf32> -> vector<1024x64xf32>
    %mul3A = arith.constant 8.000000e-01 : f32
    %mul3A_23 = vector.broadcast %mul3A : f32 to vector<1024x64xf32>
    %mul3A_24 = arith.mulf %mul3A_23, %dot_general3A_22 : vector<1024x64xf32>
    %mul3A_25 = arith.constant 2.000000e-01 : f32
    %mul3A_26 = vector.broadcast %mul3A_25 : f32 to vector<1024x64xf32>
    %mul3A_27 = arith.mulf %mul3A_26, %get3A_7 : vector<1024x64xf32>
    %add3A = arith.addf %mul3A_24, %mul3A_27 : vector<1024x64xf32>
    %convert_element_type3A_28 = arith.truncf %add3A : vector<1024x64xf32> to vector<1024x64xbf16>
    %convert_element_type3A_29 = arith.extf %convert_element_type3A_28 : vector<1024x64xbf16> to vector<1024x64xf32>
    %mul3A_30 = arith.mulf %convert_element_type3A_29, %convert_element_type3A_2 : vector<1024x64xf32>
    %reduce_sum3A = arith.constant dense<0.000000e+00> : vector<1024xf32>
    %reduce_sum3A_31 = vector.multi_reduction <add>, %mul3A_30, %reduce_sum3A [1] : vector<1024x64xf32> to vector<1024xf32>
    %broadcast_in_dim3A = vector.shape_cast %reduce_sum3A_31 : vector<1024xf32> to vector<1024x1xf32>
    %reduce_sum3A_32 = arith.constant dense<0.000000e+00> : vector<1xf32>
    %reduce_sum3A_33 = vector.multi_reduction <add>, %broadcast_in_dim3A, %reduce_sum3A_32 [0] : vector<1024x1xf32> to vector<1xf32>
    %broadcast_in_dim3A_34 = vector.shape_cast %reduce_sum3A_33 : vector<1xf32> to vector<1x1xf32>
    %get3A_35 = arith.constant 0 : index
    %get3A_36 = arith.constant 0 : index
    %get3A_37 = vector.load %arg4[%get3A_35, %get3A_36] : memref<1x1xf32, #tpu.memory_space<vmem>>, vector<1x1xf32>
    %add3A_38 = arith.addf %broadcast_in_dim3A_34, %get3A_37 : vector<1x1xf32>
    %logistic3A = arith.negf %add3A_38 : vector<1x1xf32>
    %logistic3A_39 = math.exp %logistic3A : vector<1x1xf32>
    %logistic3A_40 = arith.constant 1.000000e+00 : f32
    %logistic3A_41 = vector.broadcast %logistic3A_40 : f32 to vector<1x1xf32>
    %logistic3A_42 = arith.addf %logistic3A_41, %logistic3A_39 : vector<1x1xf32>
    %logistic3A_43 = arith.divf %logistic3A_41, %logistic3A_42 : vector<1x1xf32>
    %get3A_44 = arith.constant 1 : index
    %get3A_45 = arith.constant 0 : index
    %get3A_46 = arith.constant 0 : index
    %get3A_47 = vector.load %arg0[%get3A_44, %get3A_45, %get3A_46] : memref<3x1024x64xf32, #tpu.memory_space<vmem>>, vector<1x1024x64xf32>
    %get3A_48 = vector.shape_cast %get3A_47 : vector<1x1024x64xf32> to vector<1024x64xf32>
    %get3A_49 = arith.constant 0 : index
    %get3A_50 = arith.constant 0 : index
    %get3A_51 = vector.load %arg1[%get3A_49, %get3A_50] : memref<64x48xf32, #tpu.memory_space<vmem>>, vector<64x48xf32>
    %dot_general3A_52 = arith.constant dense<0.000000e+00> : vector<1024x48xf32>
    %dot_general3A_53 = tpu.matmul %get3A_48, %get3A_51, %dot_general3A_52 {dimension_numbers = #tpu.dot_dimension_numbers<[1], [0], [0], [1], [0, 0, 1, 1], [], []>, transpose_lhs_hint = false} : vector<1024x64xf32>, vector<64x48xf32>, vector<1024x48xf32> -> vector<1024x48xf32>
    %get3A_54 = arith.constant 0 : index
    %get3A_55 = arith.constant 0 : index
    %get3A_56 = vector.load %arg2[%get3A_54, %get3A_55] : memref<64x48xf32, #tpu.memory_space<vmem>>, vector<64x48xf32>
    %dot_general3A_57 = arith.constant dense<0.000000e+00> : vector<1024x48xf32>
    %dot_general3A_58 = tpu.matmul %get3A_48, %get3A_56, %dot_general3A_57 {dimension_numbers = #tpu.dot_dimension_numbers<[1], [0], [0], [1], [0, 0, 1, 1], [], []>, transpose_lhs_hint = false} : vector<1024x64xf32>, vector<64x48xf32>, vector<1024x48xf32> -> vector<1024x48xf32>
    %dot_general3A_59 = arith.constant dense<0.000000e+00> : vector<1024x1024xf32>
    %dot_general3A_60 = tpu.matmul %dot_general3A_53, %dot_general3A_58, %dot_general3A_59 {dimension_numbers = #tpu.dot_dimension_numbers<[1], [1], [0], [0], [0, 0, 1, 0], [], []>, transpose_lhs_hint = false} : vector<1024x48xf32>, vector<1024x48xf32>, vector<1024x1024xf32> -> vector<1024x1024xf32>
    %div3A_61 = arith.constant 0.216506347 : f32
    %div3A_62 = vector.broadcast %div3A_61 : f32 to vector<1024x1024xf32>
    %div3A_63 = arith.divf %dot_general3A_60, %div3A_62 : vector<1024x1024xf32>
    %dot_general3A_64 = arith.constant dense<0.000000e+00> : vector<1024x64xf32>
    %dot_general3A_65 = tpu.matmul %div3A_63, %get3A_48, %dot_general3A_64 {dimension_numbers = #tpu.dot_dimension_numbers<[1], [0], [0], [1], [0, 0, 1, 1], [], []>, transpose_lhs_hint = false} : vector<1024x1024xf32>, vector<1024x64xf32>, vector<1024x64xf32> -> vector<1024x64xf32>
    %mul3A_66 = arith.constant 8.000000e-01 : f32
    %mul3A_67 = vector.broadcast %mul3A_66 : f32 to vector<1024x64xf32>
    %mul3A_68 = arith.mulf %mul3A_67, %dot_general3A_65 : vector<1024x64xf32>
    %mul3A_69 = arith.constant 2.000000e-01 : f32
    %mul3A_70 = vector.broadcast %mul3A_69 : f32 to vector<1024x64xf32>
    %mul3A_71 = arith.mulf %mul3A_70, %get3A_48 : vector<1024x64xf32>
    %add3A_72 = arith.addf %mul3A_68, %mul3A_71 : vector<1024x64xf32>
    %convert_element_type3A_73 = arith.truncf %add3A_72 : vector<1024x64xf32> to vector<1024x64xbf16>
    %convert_element_type3A_74 = arith.extf %convert_element_type3A_73 : vector<1024x64xbf16> to vector<1024x64xf32>
    %mul3A_75 = arith.mulf %convert_element_type3A_74, %convert_element_type3A_2 : vector<1024x64xf32>
    %reduce_sum3A_76 = arith.constant dense<0.000000e+00> : vector<1024xf32>
    %reduce_sum3A_77 = vector.multi_reduction <add>, %mul3A_75, %reduce_sum3A_76 [1] : vector<1024x64xf32> to vector<1024xf32>
    %broadcast_in_dim3A_78 = vector.shape_cast %reduce_sum3A_77 : vector<1024xf32> to vector<1024x1xf32>
    %reduce_sum3A_79 = arith.constant dense<0.000000e+00> : vector<1xf32>
    %reduce_sum3A_80 = vector.multi_reduction <add>, %broadcast_in_dim3A_78, %reduce_sum3A_79 [0] : vector<1024x1xf32> to vector<1xf32>
    %broadcast_in_dim3A_81 = vector.shape_cast %reduce_sum3A_80 : vector<1xf32> to vector<1x1xf32>
    %get3A_82 = arith.constant 0 : index
    %get3A_83 = arith.constant 0 : index
    %get3A_84 = vector.load %arg4[%get3A_82, %get3A_83] : memref<1x1xf32, #tpu.memory_space<vmem>>, vector<1x1xf32>
    %add3A_85 = arith.addf %broadcast_in_dim3A_81, %get3A_84 : vector<1x1xf32>
    %logistic3A_86 = arith.negf %add3A_85 : vector<1x1xf32>
    %logistic3A_87 = math.exp %logistic3A_86 : vector<1x1xf32>
    %logistic3A_88 = arith.constant 1.000000e+00 : f32
    %logistic3A_89 = vector.broadcast %logistic3A_88 : f32 to vector<1x1xf32>
    %logistic3A_90 = arith.addf %logistic3A_89, %logistic3A_87 : vector<1x1xf32>
    %logistic3A_91 = arith.divf %logistic3A_89, %logistic3A_90 : vector<1x1xf32>
    %get3A_92 = arith.constant 2 : index
    %get3A_93 = arith.constant 0 : index
    %get3A_94 = arith.constant 0 : index
    %get3A_95 = vector.load %arg0[%get3A_92, %get3A_93, %get3A_94] : memref<3x1024x64xf32, #tpu.memory_space<vmem>>, vector<1x1024x64xf32>
    %get3A_96 = vector.shape_cast %get3A_95 : vector<1x1024x64xf32> to vector<1024x64xf32>
    %get3A_97 = arith.constant 0 : index
    %get3A_98 = arith.constant 0 : index
    %get3A_99 = vector.load %arg1[%get3A_97, %get3A_98] : memref<64x48xf32, #tpu.memory_space<vmem>>, vector<64x48xf32>
    %dot_general3A_100 = arith.constant dense<0.000000e+00> : vector<1024x48xf32>
    %dot_general3A_101 = tpu.matmul %get3A_96, %get3A_99, %dot_general3A_100 {dimension_numbers = #tpu.dot_dimension_numbers<[1], [0], [0], [1], [0, 0, 1, 1], [], []>, transpose_lhs_hint = false} : vector<1024x64xf32>, vector<64x48xf32>, vector<1024x48xf32> -> vector<1024x48xf32>
    %get3A_102 = arith.constant 0 : index
    %get3A_103 = arith.constant 0 : index
    %get3A_104 = vector.load %arg2[%get3A_102, %get3A_103] : memref<64x48xf32, #tpu.memory_space<vmem>>, vector<64x48xf32>
    %dot_general3A_105 = arith.constant dense<0.000000e+00> : vector<1024x48xf32>
    %dot_general3A_106 = tpu.matmul %get3A_96, %get3A_104, %dot_general3A_105 {dimension_numbers = #tpu.dot_dimension_numbers<[1], [0], [0], [1], [0, 0, 1, 1], [], []>, transpose_lhs_hint = false} : vector<1024x64xf32>, vector<64x48xf32>, vector<1024x48xf32> -> vector<1024x48xf32>
    %dot_general3A_107 = arith.constant dense<0.000000e+00> : vector<1024x1024xf32>
    %dot_general3A_108 = tpu.matmul %dot_general3A_101, %dot_general3A_106, %dot_general3A_107 {dimension_numbers = #tpu.dot_dimension_numbers<[1], [1], [0], [0], [0, 0, 1, 0], [], []>, transpose_lhs_hint = false} : vector<1024x48xf32>, vector<1024x48xf32>, vector<1024x1024xf32> -> vector<1024x1024xf32>
    %div3A_109 = arith.constant 0.216506347 : f32
    %div3A_110 = vector.broadcast %div3A_109 : f32 to vector<1024x1024xf32>
    %div3A_111 = arith.divf %dot_general3A_108, %div3A_110 : vector<1024x1024xf32>
    %dot_general3A_112 = arith.constant dense<0.000000e+00> : vector<1024x64xf32>
    %dot_general3A_113 = tpu.matmul %div3A_111, %get3A_96, %dot_general3A_112 {dimension_numbers = #tpu.dot_dimension_numbers<[1], [0], [0], [1], [0, 0, 1, 1], [], []>, transpose_lhs_hint = false} : vector<1024x1024xf32>, vector<1024x64xf32>, vector<1024x64xf32> -> vector<1024x64xf32>
    %mul3A_114 = arith.constant 8.000000e-01 : f32
    %mul3A_115 = vector.broadcast %mul3A_114 : f32 to vector<1024x64xf32>
    %mul3A_116 = arith.mulf %mul3A_115, %dot_general3A_113 : vector<1024x64xf32>
    %mul3A_117 = arith.constant 2.000000e-01 : f32
    %mul3A_118 = vector.broadcast %mul3A_117 : f32 to vector<1024x64xf32>
    %mul3A_119 = arith.mulf %mul3A_118, %get3A_96 : vector<1024x64xf32>
    %add3A_120 = arith.addf %mul3A_116, %mul3A_119 : vector<1024x64xf32>
    %convert_element_type3A_121 = arith.truncf %add3A_120 : vector<1024x64xf32> to vector<1024x64xbf16>
    %convert_element_type3A_122 = arith.extf %convert_element_type3A_121 : vector<1024x64xbf16> to vector<1024x64xf32>
    %mul3A_123 = arith.mulf %convert_element_type3A_122, %convert_element_type3A_2 : vector<1024x64xf32>
    %reduce_sum3A_124 = arith.constant dense<0.000000e+00> : vector<1024xf32>
    %reduce_sum3A_125 = vector.multi_reduction <add>, %mul3A_123, %reduce_sum3A_124 [1] : vector<1024x64xf32> to vector<1024xf32>
    %broadcast_in_dim3A_126 = vector.shape_cast %reduce_sum3A_125 : vector<1024xf32> to vector<1024x1xf32>
    %reduce_sum3A_127 = arith.constant dense<0.000000e+00> : vector<1xf32>
    %reduce_sum3A_128 = vector.multi_reduction <add>, %broadcast_in_dim3A_126, %reduce_sum3A_127 [0] : vector<1024x1xf32> to vector<1xf32>
    %broadcast_in_dim3A_129 = vector.shape_cast %reduce_sum3A_128 : vector<1xf32> to vector<1x1xf32>
    %get3A_130 = arith.constant 0 : index
    %get3A_131 = arith.constant 0 : index
    %get3A_132 = vector.load %arg4[%get3A_130, %get3A_131] : memref<1x1xf32, #tpu.memory_space<vmem>>, vector<1x1xf32>
    %add3A_133 = arith.addf %broadcast_in_dim3A_129, %get3A_132 : vector<1x1xf32>
    %logistic3A_134 = arith.negf %add3A_133 : vector<1x1xf32>
    %logistic3A_135 = math.exp %logistic3A_134 : vector<1x1xf32>
    %logistic3A_136 = arith.constant 1.000000e+00 : f32
    %logistic3A_137 = vector.broadcast %logistic3A_136 : f32 to vector<1x1xf32>
    %logistic3A_138 = arith.addf %logistic3A_137, %logistic3A_135 : vector<1x1xf32>
    %logistic3A_139 = arith.divf %logistic3A_137, %logistic3A_138 : vector<1x1xf32>
    %mul3A_140 = vector.broadcast %logistic3A_43 : vector<1x1xf32> to vector<1024x64xf32>
    %mul3A_141 = arith.mulf %mul3A_140, %add3A : vector<1024x64xf32>
    %mul3A_142 = vector.broadcast %logistic3A_91 : vector<1x1xf32> to vector<1024x64xf32>
    %mul3A_143 = arith.mulf %mul3A_142, %add3A_72 : vector<1024x64xf32>
    %add3A_144 = arith.addf %mul3A_141, %mul3A_143 : vector<1024x64xf32>
    %mul3A_145 = vector.broadcast %logistic3A_139 : vector<1x1xf32> to vector<1024x64xf32>
    %mul3A_146 = arith.mulf %mul3A_145, %add3A_120 : vector<1024x64xf32>
    %add3A_147 = arith.addf %add3A_144, %mul3A_146 : vector<1024x64xf32>
    %mul3A_148 = arith.constant 5.000000e-01 : f32
    %mul3A_149 = vector.broadcast %mul3A_148 : f32 to vector<1024x64xf32>
    %mul3A_150 = arith.mulf %mul3A_149, %add3A : vector<1024x64xf32>
    %mul3A_151 = arith.constant 5.000000e-01 : f32
    %mul3A_152 = vector.broadcast %mul3A_151 : f32 to vector<1024x64xf32>
    %mul3A_153 = arith.mulf %mul3A_152, %add3A_147 : vector<1024x64xf32>
    %add3A_154 = arith.addf %mul3A_150, %mul3A_153 : vector<1024x64xf32>
    %swap3A = arith.constant 0 : index
    %swap3A_155 = arith.constant 0 : index
    %swap3A_156 = arith.constant 0 : index
    %swap3A_157 = vector.load %arg5[%swap3A, %swap3A_155, %swap3A_156] : memref<3x1024x64xf32, #tpu.memory_space<vmem>>, vector<1x1024x64xf32>
    %swap3A_158 = vector.shape_cast %swap3A_157 : vector<1x1024x64xf32> to vector<1024x64xf32>
    %swap3A_159 = vector.shape_cast %add3A_154 : vector<1024x64xf32> to vector<1x1024x64xf32>
    tpu.vector_store %arg5[%swap3A, %swap3A_155, %swap3A_156], %swap3A_159 {strides = array<i32>} : memref<3x1024x64xf32, #tpu.memory_space<vmem>>, vector<1x1024x64xf32>,
    %mul3A_160 = arith.constant 5.000000e-01 : f32
    %mul3A_161 = vector.broadcast %mul3A_160 : f32 to vector<1024x64xf32>
    %mul3A_162 = arith.mulf %mul3A_161, %add3A_72 : vector<1024x64xf32>
    %mul3A_163 = arith.constant 5.000000e-01 : f32
    %mul3A_164 = vector.broadcast %mul3A_163 : f32 to vector<1024x64xf32>
    %mul3A_165 = arith.mulf %mul3A_164, %add3A_147 : vector<1024x64xf32>
    %add3A_166 = arith.addf %mul3A_162, %mul3A_165 : vector<1024x64xf32>
    %swap3A_167 = arith.constant 1 : index
    %swap3A_168 = arith.constant 0 : index
    %swap3A_169 = arith.constant 0 : index
    %swap3A_170 = vector.load %arg5[%swap3A_167, %swap3A_168, %swap3A_169] : memref<3x1024x64xf32, #tpu.memory_space<vmem>>, vector<1x1024x64xf32>
    %swap3A_171 = vector.shape_cast %swap3A_170 : vector<1x1024x64xf32> to vector<1024x64xf32>
    %swap3A_172 = vector.shape_cast %add3A_166 : vector<1024x64xf32> to vector<1x1024x64xf32>
    tpu.vector_store %arg5[%swap3A_167, %swap3A_168, %swap3A_169], %swap3A_172 {strides = array<i32>} : memref<3x1024x64xf32, #tpu.memory_space<vmem>>, vector<1x1024x64xf32>,
    %mul3A_173 = arith.constant 5.000000e-01 : f32
    %mul3A_174 = vector.broadcast %mul3A_173 : f32 to vector<1024x64xf32>
    %mul3A_175 = arith.mulf %mul3A_174, %add3A_120 : vector<1024x64xf32>
    %mul3A_176 = arith.constant 5.000000e-01 : f32
    %mul3A_177 = vector.broadcast %mul3A_176 : f32 to vector<1024x64xf32>
    %mul3A_178 = arith.mulf %mul3A_177, %add3A_147 : vector<1024x64xf32>
    %add3A_179 = arith.addf %mul3A_175, %mul3A_178 : vector<1024x64xf32>
    %swap3A_180 = arith.constant 2 : index
    %swap3A_181 = arith.constant 0 : index
    %swap3A_182 = arith.constant 0 : index
    %swap3A_183 = vector.load %arg5[%swap3A_180, %swap3A_181, %swap3A_182] : memref<3x1024x64xf32, #tpu.memory_space<vmem>>, vector<1x1024x64xf32>
    %swap3A_184 = vector.shape_cast %swap3A_183 : vector<1x1024x64xf32> to vector<1024x64xf32>
    %swap3A_185 = vector.shape_cast %add3A_179 : vector<1024x64xf32> to vector<1x1024x64xf32>
    tpu.vector_store %arg5[%swap3A_180, %swap3A_181, %swap3A_182], %swap3A_185 {strides = array<i32>} : memref<3x1024x64xf32, #tpu.memory_space<vmem>>, vector<1x1024x64xf32>,
    return
  }
}

</mosaic_0001>

<sc_bundles>
// kernel: kernel.12.cloned.1.call-start
scs
__scs_entry_jumppad:
0x0: {  	(pc) =	sbr.rel $0x88, $3  }
0x1: {  	(tag) =	ssettag $0x0;
	lr =	simm.s32 $0x1  }
0x2: {  	[smem:$0x3F90] =	sst lr;
	_ =	strace $0xD0000000  }
0x3: {  	_ = 	snop  }
0x4: {  	_ = 	snop  }
0x5: {  	_ = 	snop  }
0x6: {  	_ = 	snop  }
0x7: {  	_ = 	snop  }
__scs_overlays_trampoline_lowered:
0x8: {  	[smem:$0x3F9F] =	sst s0  }
0x9: {  	[smem:$0x3FA0] =	sst s1  }
0xa: {  	[smem:$0x3FA1] =	sst s2  }
0xb: {  	[smem:$0x3FA2] =	sst s3  }
0xc: {  	[smem:$0x3FA3] =	sst s4  }
0xd: {  	[smem:$0x3FA4] =	sst s5  }
0xe: {  	[smem:$0x3FA5] =	sst s6  }
0xf: {  	[smem:$0x3FA6] =	sst s7  }
0x10: {  	[smem:$0x3FA7] =	sst s8  }
0x11: {  	[smem:$0x3FA8] =	sst s9;
	s0 =	simm.s32 @!p0 $0x0  }
0x12: {  	s1 =	sld [smem:$0x3F8E];
	s0 =	simm.s32 @p0 $0x1  }
0x13: {  	[smem:$0x3FA9] =	sst s0;
	s0 =	simm.s32 @!p1 $0x0  }
0x14: {  	s2 =	sld [smem:$0x3F8D];
	s0 =	simm.s32 @p1 $0x1  }
0x15: {  	[smem:$0x3FAA] =	sst s0;
	s0 =	simm.s32 @!p2 $0x0  }
0x16: {  	s3 =	sld [smem:$0x3FDB];
	s0 =	simm.s32 @p2 $0x1  }
0x17: {  	s4 =	simm.s32 $0x1BF5;
	[smem:$0x3FAC] =	sst s0  }
0x18: {  	s0 =	sld [smem:$0x3F8F];
	_ =	swait.ge [sflag:s4], $0x0  }
0x19: {  	s7 =	sld [smem:$0x3F90]  }
0x1a: {  	s8 =	sadd.s32 $0xFFFFE003, lr  }
0x1b: {  	s9 =	sadd.s32 $0xFFFFFEF7, lr;
	s5 =	simm.s32 $0xFFFFFFFF;
	p2 =	slt.u32 s8, $0xFFFFF086  }
0x1c: {  	p1 =	slt.u32 s9, $0xF7A;
	s5 =	simm.s32 @!p2 $0x0  }
0x1d: {  	s5 =	simm.s32 @p1 $0x1;
	p0 =	seq.s32 s7, s2  }
0x1e: {  	s7 =	smul.u32 @!p0 $0xF7A, s2;
	p2 =	seq.s32 @!p0 s5, $0x0  }
0x1f: {  	s9 =	smul.u32 $0xF7A, s1;
	s8 =	simm.s32 @!p0 $0x1BF5;
	p2 =	por !p2, p0  }
0x20: {  	[sflag:s8] =	ssyncset.s32 @!p0 $0xFFFFF086;
	s6 =	sadd.s32 @!p0 s3, s7;
	s7 =	simm.s32 @!p0 $0x108  }
0x21: {  	s3 =	sadd.s32 s3, s9;
	s6 =	sadd.s32 @!p0 $0x88, s6;
	s7 =	simm.s32 @p2 $0x1082  }
0x22: {  	[simem:s7], [sflag:s8] =	dma.local @!p0 [hbm:s6], $0xF7A  }
0x23: {  	s9 =	sor.u32 $0xD0000000, s2;
	s6 =	simm.s32 $0x108;
	_ =	swait.ge @!p0 [sflag:s8], $0x0  }
0x24: {  	s3 =	sadd.s32 $0x88, s3;
	s6 =	simm.s32 @!p1 $0x1082;
	[sflag:s4] =	ssyncset.s32 $0xFFFFF086  }
0x25: {  	[simem:s6], [sflag:s4] =	dma.local [hbm:s3], $0xF7A  }
0x26: {  	[smem:$0x3F90] =	sst s1;
	(tag) =	ssettag s2;
	_ =	strace s9  }
0x27: {  	s1 =	sld [smem:$0x3FA0]  }
0x28: {  	s2 =	sld [smem:$0x3FA1]  }
0x29: {  	s4 =	sld [smem:$0x3FA3]  }
0x2a: {  	p0 =	seq.s32 s5, $0x0;
	s5 =	sld [smem:$0x3FA4]  }
0x2b: {  	s6 =	sld [smem:$0x3FA5]  }
0x2c: {  	s7 =	sld [smem:$0x3FA6]  }
0x2d: {  	s3 =	simm.s32 $0x108;
	s8 =	sld [smem:$0x3FA7]  }
0x2e: {  	s3 =	simm.s32 @!p0 $0x1082;
	s9 =	sld [smem:$0x3FA8]  }
0x2f: {  	lr =	sadd.s32 s0, s3;
	s0 =	sld [smem:$0x3F9F]  }
0x30: {  	s3 =	sld [smem:$0x3FA2]  }
0x31: {  	[smem:$0x3FAB] =	sst s10  }
0x32: {  	s10 =	sld [smem:$0x3FA9];
	_ =	sdelay $0x3  }
0x33: {  	p0 =	seq.s32 s10, $0x1;
	s10 =	sld [smem:$0x3FAB];
	_ =	sdelay $0x3  }
0x34: {  	[smem:$0x3FAB] =	sst s10  }
0x35: {  	s10 =	sld [smem:$0x3FAA];
	_ =	sdelay $0x3  }
0x36: {  	p1 =	seq.s32 s10, $0x1;
	s10 =	sld [smem:$0x3FAB];
	_ =	sdelay $0x3  }
0x37: {  	[smem:$0x3FAB] =	sst s10  }
0x38: {  	s10 =	sld [smem:$0x3FAC]  }
0x39: {  	_ = 	snop;
	(pc) =	sbr.ind lr, $3  }
0x3a: {  	_ = 	snop  }
0x3b: {  	_ = 	snop  }
0x3c: {  	p2 =	seq.s32 s10, $0x1;
	s10 =	sld [smem:$0x3FAB]  }
0x3d: {  	_ =	shalt  }
0x3e: {  	_ =	shalt  }
0x3f: {  	_ =	shalt  }
0x40: {  	_ =	shalt  }
0x41: {  	_ =	shalt  }
0x42: {  	_ =	shalt  }
0x43: {  	_ =	shalt  }
0x44: {  	_ =	shalt  }
0x45: {  	_ =	shalt  }
0x46: {  	_ =	shalt  }
0x47: {  	_ =	shalt  }
0x48: {  	_ =	shalt  }
0x49: {  	_ =	shalt  }
0x4a: {  	_ =	shalt  }
0x4b: {  	_ =	shalt  }
0x4c: {  	_ =	shalt  }
0x4d: {  	_ =	shalt  }
0x4e: {  	_ =	shalt  }
0x4f: {  	_ =	shalt  }
0x50: {  	_ =	shalt  }
0x51: {  	_ =	shalt  }
0x52: {  	_ =	shalt  }
0x53: {  	_ =	shalt  }
0x54: {  	_ =	shalt  }
0x55: {  	_ =	shalt  }
0x56: {  	_ =	shalt  }
0x57: {  	_ =	shalt  }
0x58: {  	_ =	shalt  }
0x59: {  	_ =	shalt  }
0x5a: {  	_ =	shalt  }
0x5b: {  	_ =	shalt  }
0x5c: {  	_ =	shalt  }
0x5d: {  	_ =	shalt  }
0x5e: {  	_ =	shalt  }
0x5f: {  	_ =	shalt  }
0x60: {  	_ =	shalt  }
0x61: {  	_ =	shalt  }
0x62: {  	_ =	shalt  }
0x63: {  	_ =	shalt  }
0x64: {  	_ =	shalt  }
0x65: {  	_ =	shalt  }
0x66: {  	_ =	shalt  }
0x67: {  	_ =	shalt  }
0x68: {  	_ =	shalt  }
0x69: {  	_ =	shalt  }
0x6a: {  	_ =	shalt  }
0x6b: {  	_ =	shalt  }
0x6c: {  	_ =	shalt  }
0x6d: {  	_ =	shalt  }
0x6e: {  	_ =	shalt  }
0x6f: {  	_ =	shalt  }
0x70: {  	_ =	shalt  }
0x71: {  	_ =	shalt  }
0x72: {  	_ =	shalt  }
0x73: {  	_ =	shalt  }
0x74: {  	_ =	shalt  }
0x75: {  	_ =	shalt  }
0x76: {  	_ =	shalt  }
0x77: {  	_ =	shalt  }
0x78: {  	_ =	shalt  }
0x79: {  	_ =	shalt  }
0x7a: {  	_ =	shalt  }
0x7b: {  	_ =	shalt  }
0x7c: {  	_ =	shalt  }
0x7d: {  	_ =	shalt  }
0x7e: {  	_ =	shalt  }
0x7f: {  	_ =	shalt  }
0x80: {  	_ =	shalt  }
0x81: {  	_ =	shalt  }
0x82: {  	_ =	shalt  }
0x83: {  	_ =	shalt  }
0x84: {  	_ =	shalt  }
0x85: {  	_ =	shalt  }
0x86: {  	_ =	shalt  }
0x87: {  	_ =	shalt  }
.Lfunc_end0:
.L_simem_size_0:
called_computation.1_lowered:
.L_overlay_start_0:
0x88: {  	s2 =	sld [smem:$0x3FD9]  }
0x89: {  	s3 =	sld [smem:$0x3FFE];
	_ =	sdelay $0x1  }
0x8a: {  	s1 =	srdreg.scid  }
0x8b: {  	s0 =	sand.u32 $0x1, s1  }
0x8c: {  	s17 =	sshll.u32 s0, $0xA;
	s2 =	sadd.s32 s3, s2  }
0x8d: {  	s2 =	sadd.s32 s2, s17  }
0x8e: {  	[smem:$0x3FB7] =	sst s2  }
0x8f: {  	_ = 	snop  }
0x90: {  	(tm) =	ssettm $0x1  }
0x91: {  	s18 =	sld [smem:$0x3FFB];
	_ =	sdelay $0x3  }
0x92: {  	_ =	strace s18  }
0x93: {  	s2 =	sld [smem:$0x3FFC];
	_ =	sdelay $0x3  }
0x94: {  	_ =	strace s2  }
0x95: {  	s2 =	sld [smem:$0x3FFD];
	_ =	sdelay $0x3  }
0x96: {  	_ =	strace s2  }
0x97: {  	_ =	strace $0x8FFFFFFF  }
0x98: {  	s19 =	sld [smem:$0x3FDB];
	_ =	sdelay $0x1  }
0x99: {  	s20 =	simm.s32 $_scs_section_size  }
0x9a: {  	s4 =	simm.s32 $_size__tile_overlayer_lowered;
	s5 =	simm.s32 $_tile_overlayer_lowered  }
0x9b: {  	s6 =	simm.s32 $0x1BFF;
	s21 =	sshll.u32 s5, $0x1;
	s3 =	sadd.s32 s20, s19  }
0x9c: {  	s22 =	simm.s32 $0x0;
	s4 =	sshll.u32 s4, $0x1;
	s5 =	sadd.s32 s21, s3  }
0x9d: {  	[timem:s22], [sflag:s6] =	dma.local [hbm:s5], s4  }
0x9e: {  	_ =	swait.ge [sflag:s6], s4  }
0x9f: {  	s4 =	ssub.s32 $0x0, s4;
	[sflag:s6] =	ssyncset.done $0x0  }
0xa0: {  	[sflag:s6] =	ssyncadd.s32 s4;
	_ =	sdelay $0x1  }
0xa1: {  	s23 =	simm.s32 $0x1B8B  }
0xa2: {  	_ =	swait.ge [sflag:s23], $0x1  }
0xa3: {  	[sflag:s23] =	ssyncset.done $0x0  }
0xa4: {  	[sflag:s23] =	ssyncadd.s32 $0xFFFFFFFF  }
0xa5: {  	s4 =	sld [smem:$0x0]  }
0xa6: {  	s5 =	sand.u32 $0xFFFFFFFE, s1  }
0xa7: {  	p0 =	sne.s32 s1, s5  }
0xa8: {  	s5 =	sshll.u32 @p0 s5, $0xE  }
0xa9: {  	s5 =	sadd.s32 @p0 $0x11B8D, s5;
	s6 =	sshll.u32 @p0 s4, $0x11  }
0xaa: {  	s5 =	sor.u32 @p0 s6, s5  }
0xab: {  	[sflag:s5] =	ssyncadd.remote.s32 @p0 $0x1;
	_ =	sdelay $0x1  }
0xac: {  	s5 =	simm.s32 @p0 $0x1B8D  }
0xad: {  	_ =	swait.eq @p0 [sflag:s5], $0x1  }
0xae: {  	[sflag:s5] =	ssyncadd.s32 @p0 $0xFFFFFFFF  }
0xaf: {  	s6 =	sshll.u32 @!p0 s1, $0xE  }
0xb0: {  	s6 =	sor.u32 @!p0 $0x4000, s6;
	s5 =	simm.s32 @!p0 $0x1B8D  }
0xb1: {  	s4 =	sshll.u32 @!p0 s4, $0x11;
	s6 =	sadd.s32 @!p0 $0x11B8D, s6;
	_ =	swait.eq @!p0 [sflag:s5], $0x1  }
0xb2: {  	s4 =	sor.u32 @!p0 s4, s6;
	[sflag:s5] =	ssyncadd.s32 @!p0 $0xFFFFFFFF  }
0xb3: {  	s25 =	simm.s32 $0x1B8E;
	s24 =	sld [smem:$0x3FFE];
	[sflag:s4] =	ssyncadd.remote.s32 @!p0 $0x1  }
0xb4: {  	s26 =	simm.s32 $execute0_lowered;
	[smem:$0x3FD2] =	sst s25  }
0xb5: {  	s5 =	sshll.u32 s26, $0x1;
	_ =	strace $0x80000049;
	[dreg:$0x1] =	wrdreg $0xFFFFFFFF  }
0xb6: {  	s28 =	simm.s32 $_size_execute0_lowered;
	s3 =	sadd.s32 s3, s5;
	[dreg:$0x0] =	wrdreg $0x0  }
0xb7: {  	s5 =	sshll.u32 s28, $0x1;
	[dreg:$0x2] =	wrdreg s3  }
0xb8: {  	[dreg:$0x3] =	wrdreg s5  }
0xb9: {  	[dreg:$0x4] =	wrdreg $0xC0  }
0xba: {  	_ =	task [dreg:s22], $0x5FFFF  }
0xbb: {  	[dreg:$0x1] =	wrdreg $0xFFFFFFFF  }
0xbc: {  	[dreg:$0x0] =	wrdreg $0x60  }
0xbd: {  	[dreg:$0x2] =	wrdreg s24  }
0xbe: {  	[dreg:$0x3] =	wrdreg $0xA  }
0xbf: {  	_ =	task.clear_ibuf [dreg:s22], $0x4FFFF;
	_ =	strace $0x90000049  }
0xc0: {  	s29 =	simm.s32 $0xA;
	_ =	strace $0x8000004B  }
0xc1: {  	_ =	swait.ge [sflag:s29], $0x1  }
0xc2: {  	[sflag:s29] =	ssyncadd.s32 $0xFFFFFFFF  }
0xc3: {  	_ =	strace $0x9000004B  }
0xc4: {  	_ =	sfence  }
0xc5: {  	s30 =	sld [smem:$0x0];
	_ =	sdelay $0x2  }
0xc6: {  	s31 =	sshll.u32 s1, $0xD;
	s1 =	sshrl.u32 s1, $0x2  }
0xc7: {  	s4 =	sand.u32 $0x4000, s31;
	s1 =	sadd.s32 s1, s30  }
0xc8: {  	s0 =	sor.u32 s4, s0;
	s1 =	sshll.u32 s1, $0x11  }
0xc9: {  	s0 =	sor.u32 s1, s0  }
0xca: {  	s0 =	sadd.s32 $0x8F2B, s0  }
0xcb: {  	[sflag:s0] =	ssyncadd.remote.s32 $0x1  }
0xcc: {  	_ =	sfence.sel $0xFFFF  }
0xcd: {  	[dreg:$0x0] =	wrdreg $0xFFFFFFFF;
	(pc) =	sbr.abs _section_cstart, $3  }
0xce: {  	[dreg:$0x1] =	wrdreg $0xFFFFFFFF  }
0xcf: {  	_ =	task.clear_ibuf [dreg:s22], $0x2FFFF;
	_ =	strace $0x9FFFFFFF  }
0xd0: {  	(tm) =	ssettm $0x7FFFFFFF  }
0xd1: {  	_ =	shalt  }
tec
execute0_lowered:
.L_overlay_start_1:
0x0: {  	(tag) =	ssettag $0x1  }
0x1: {  	s4 =	rddreg [dreg:$0x0]  }
0x2: {  	s0 =	rddreg [dreg:$0x1];
	s3 =	srdreg.scid  }
0x3: {  	s1 =	stileid.u32;
	s2 =	simm.s32 $0x0;
	s9 =	simm.s32 $0x10000  }
0x4: {  	s3 =	sand.u32 $0x1, s3;
	s5 =	sshll.u32 s1, $0x1;
	[smem:$0x7FF] =	sst s2  }
0x5: {  	s10 =	simm.s32 $0x0;
	s5 =	sor.u32 s3, s5;
	_ =	strace $0x8000004A  }
0x6: {  	s7 =	ssub.s32 $0x2, s3;
	s3 =	sadd.s32 $0x24A00, s4;
	s6 =	sshll.u32 s5, $0xC  }
0x7: {  	s8 =	sshrl.u32 s7, $0x1;
	s31 =	sshll.u32 s5, $0x5;
	s6 =	sadd.s32 s6, s4  }
0x8: {  	s7 =	ssub.s32 s7, s8;
	s4 =	sadd.s32 $0x25A00, s4;
	s8 =	simm.s32 $0x8000  }
0x9: {  	v1 =	vimm.f32 $0.0e+00;
	v2 =	vimm.f32 $1.000000000e+00;
	v0 =	vmov s31;
	s5 =	sadd.s32 $0x26A00, s6;
	s6 =	smax.u32 s7, $0x1;
	s7 =	simm.s32 $0x1  }
.LBB2_1:
0xa: {  	s11 =	simm.s32 $0x10080  }
0xb: {  	[tilespmem:s11+$0xFFFFFF80] =	vst v1  }
0xc: {  	[tilespmem:s11+$0x70] =	vst v1  }
0xd: {  	[tilespmem:s11+$0x60] =	vst v1  }
0xe: {  	[tilespmem:s11+$0x50] =	vst v1  }
0xf: {  	[tilespmem:s11+$0x40] =	vst v1  }
0x10: {  	[tilespmem:s11+$0x30] =	vst v1  }
0x11: {  	[tilespmem:s11+$0x20] =	vst v1  }
0x12: {  	[tilespmem:s11+$0x10] =	vst v1  }
0x13: {  	[tilespmem:s11+$0x0] =	vst v1  }
0x14: {  	[tilespmem:s11+$0xFFFFFFF0] =	vst v1  }
0x15: {  	[tilespmem:s11+$0xFFFFFFE0] =	vst v1  }
0x16: {  	[tilespmem:s11+$0xFFFFFFD0] =	vst v1  }
0x17: {  	[tilespmem:s11+$0xFFFFFFC0] =	vst v1  }
0x18: {  	[tilespmem:s11+$0xFFFFFFB0] =	vst v1  }
0x19: {  	s12 =	simm.s32 $0x0;
	[tilespmem:s11+$0xFFFFFFA0] =	vst v1  }
.LBB2_2:
0x1a: {  	s12 =	sadd.s32 $0x10, s12;
	[tilespmem:s11+$0xFFFFFF90] =	vst v1;
	s11 =	sadd.s32 $0x100, s11  }
0x1b: {  	[tilespmem:s11+$0xFFFFFF80] =	vst v1;
	p0 =	slt.u32 s12, $0x7F0  }
0x1c: {  	[tilespmem:s11+$0x70] =	vst v1  }
0x1d: {  	[tilespmem:s11+$0x60] =	vst v1  }
0x1e: {  	[tilespmem:s11+$0x50] =	vst v1  }
0x1f: {  	[tilespmem:s11+$0x40] =	vst v1  }
0x20: {  	[tilespmem:s11+$0x30] =	vst v1  }
0x21: {  	[tilespmem:s11+$0x20] =	vst v1  }
0x22: {  	[tilespmem:s11+$0x10] =	vst v1  }
0x23: {  	[tilespmem:s11+$0x0] =	vst v1  }
0x24: {  	[tilespmem:s11+$0xFFFFFFF0] =	vst v1  }
.Ltmp0:
0x25: {  	[tilespmem:s11+$0xFFFFFFE0] =	vst v1;
	(pc) =	sbr.rel @p0 .LBB2_2-.Ltmp0, $4  }
0x26: {  	[tilespmem:s11+$0xFFFFFFD0] =	vst v1  }
0x27: {  	[tilespmem:s11+$0xFFFFFFC0] =	vst v1  }
0x28: {  	[tilespmem:s11+$0xFFFFFFB0] =	vst v1  }
0x29: {  	[tilespmem:s11+$0xFFFFFFA0] =	vst v1  }
0x2a: {  	[tilespmem:s11+$0xFFFFFF90] =	vst v1  }
0x2b: {  	[tilespmem:s2], [sflag:$0x1] =	stream.linear.gather [hbm4b:s3+s2], $0x8000, $0x38;
	[tilespmem:$0x18000] =	vst v63  }
0x2c: {  	_ =	swait.ge [sflag:s7], $0x8000  }
0x2d: {  	[sflag:s7] =	ssyncset.done $0x0  }
0x2e: {  	[sflag:s7] =	ssyncadd.s32 $0xFFFF8000  }
0x2f: {  	[tilespmem:s8], [sflag:$0x1] =	stream.linear.gather [hbm4b:s4+s2], $0x8000, $0x38;
	[tilespmem:$0x18000] =	vst v63  }
0x30: {  	_ =	swait.ge [sflag:s7], $0x8000  }
0x31: {  	s11 =	simm.s32 $0xFFFFFFF8;
	[sflag:s7] =	ssyncset.done $0x0  }
0x32: {  	s12 =	simm.s32 $0x40;
	s13 =	simm.s32 $0x8040;
	[sflag:s7] =	ssyncadd.s32 $0xFFFF8000  }
.LBB2_4:
0x33: {  	v3 =	vld [tilespmem:s13+$0xFFFFFFC0];
	_ =	sdelay $0x1  }
0x34: {  	v4 =	vld [tilespmem:s12+$0xFFFFFFC0];
	_ =	sdelay $0x2  }
0x35: {  	v3 =	vsub.s32 v3, v0  }
0x36: {  	v5 =	vshll.u32 v3, $0xA  }
0x37: {  	vm0 =	vlt.u32 v3, $0x20;
	v3 =	vadd.s32 v4, v5  }
0x38: {  	v3 =	vnsel vm0, $0x0, v3;
	_ =	sdelay $0x4  }
0x39: {  	[tilespmem:v3+s9+$0x0] =	vst.idx.add.f32.msk vm0, v2  }
0x3a: {  	v3 =	vld [tilespmem:s13+$0xFFFFFFD0];
	_ =	sdelay $0x1  }
0x3b: {  	v50 =	vld [tilespmem:s12+$0xFFFFFFD0];
	_ =	sdelay $0x2  }
0x3c: {  	v3 =	vsub.s32 v3, v0  }
0x3d: {  	v51 =	vshll.u32 v3, $0xA  }
0x3e: {  	vm9 =	vlt.u32 v3, $0x20;
	v3 =	vadd.s32 v50, v51  }
0x3f: {  	v3 =	vnsel vm9, $0x0, v3;
	_ =	sdelay $0x4  }
0x40: {  	[tilespmem:v3+s9+$0x0] =	vst.idx.add.f32.msk vm9, v2  }
0x41: {  	v3 =	vld [tilespmem:s13+$0xFFFFFFE0];
	_ =	sdelay $0x1  }
0x42: {  	v52 =	vld [tilespmem:s12+$0xFFFFFFE0];
	_ =	sdelay $0x2  }
0x43: {  	v3 =	vsub.s32 v3, v0  }
0x44: {  	v53 =	vshll.u32 v3, $0xA  }
0x45: {  	vm10 =	vlt.u32 v3, $0x20;
	v3 =	vadd.s32 v52, v53  }
0x46: {  	v3 =	vnsel vm10, $0x0, v3;
	_ =	sdelay $0x4  }
0x47: {  	[tilespmem:v3+s9+$0x0] =	vst.idx.add.f32.msk vm10, v2  }
0x48: {  	v3 =	vld [tilespmem:s13+$0xFFFFFFF0];
	_ =	sdelay $0x1  }
0x49: {  	v54 =	vld [tilespmem:s12+$0xFFFFFFF0];
	_ =	sdelay $0x2  }
0x4a: {  	v3 =	vsub.s32 v3, v0  }
0x4b: {  	v55 =	vshll.u32 v3, $0xA  }
0x4c: {  	vm11 =	vlt.u32 v3, $0x20;
	v3 =	vadd.s32 v54, v55  }
0x4d: {  	v3 =	vnsel vm11, $0x0, v3;
	_ =	sdelay $0x4  }
0x4e: {  	[tilespmem:v3+s9+$0x0] =	vst.idx.add.f32.msk vm11, v2  }
0x4f: {  	v3 =	vld [tilespmem:s13+$0x0];
	_ =	sdelay $0x1  }
0x50: {  	v56 =	vld [tilespmem:s12+$0x0];
	_ =	sdelay $0x2  }
0x51: {  	v3 =	vsub.s32 v3, v0  }
0x52: {  	v57 =	vshll.u32 v3, $0xA  }
0x53: {  	vm12 =	vlt.u32 v3, $0x20;
	v3 =	vadd.s32 v56, v57  }
0x54: {  	v3 =	vnsel vm12, $0x0, v3;
	_ =	sdelay $0x4  }
0x55: {  	[tilespmem:v3+s9+$0x0] =	vst.idx.add.f32.msk vm12, v2  }
0x56: {  	v3 =	vld [tilespmem:s13+$0x10];
	_ =	sdelay $0x1  }
0x57: {  	v58 =	vld [tilespmem:s12+$0x10];
	_ =	sdelay $0x2  }
0x58: {  	v3 =	vsub.s32 v3, v0  }
0x59: {  	v59 =	vshll.u32 v3, $0xA  }
0x5a: {  	vm13 =	vlt.u32 v3, $0x20;
	v3 =	vadd.s32 v58, v59  }
0x5b: {  	v3 =	vnsel vm13, $0x0, v3;
	_ =	sdelay $0x4  }
0x5c: {  	[tilespmem:v3+s9+$0x0] =	vst.idx.add.f32.msk vm13, v2  }
0x5d: {  	v3 =	vld [tilespmem:s13+$0x20];
	_ =	sdelay $0x1  }
0x5e: {  	v60 =	vld [tilespmem:s12+$0x20];
	_ =	sdelay $0x2  }
0x5f: {  	v3 =	vsub.s32 v3, v0  }
0x60: {  	v61 =	vshll.u32 v3, $0xA  }
0x61: {  	vm14 =	vlt.u32 v3, $0x20;
	v3 =	vadd.s32 v60, v61  }
0x62: {  	v3 =	vnsel vm14, $0x0, v3;
	_ =	sdelay $0x4  }
0x63: {  	[tilespmem:v3+s9+$0x0] =	vst.idx.add.f32.msk vm14, v2  }
0x64: {  	v3 =	vld [tilespmem:s13+$0x30];
	_ =	sdelay $0x1  }
0x65: {  	v62 =	vld [tilespmem:s12+$0x30];
	_ =	sdelay $0x2  }
0x66: {  	v3 =	vsub.s32 v3, v0  }
0x67: {  	v63 =	vshll.u32 v3, $0xA  }
0x68: {  	s11 =	sadd.s32 $0x8, s11;
	vm15 =	vlt.u32 v3, $0x20;
	v3 =	vadd.s32 v62, v63  }
0x69: {  	p0 =	slt.u32 s11, $0x7F8;
	v3 =	vnsel vm15, $0x0, v3  }
.Ltmp1:
0x6a: {  	_ = 	snop;
	(pc) =	sbr.rel @p0 .LBB2_4-.Ltmp1, $2  }
0x6b: {  	_ =	sdelay $0x2  }
0x6c: {  	s12 =	sadd.s32 $0x80, s12;
	s13 =	sadd.s32 $0x80, s13;
	[tilespmem:v3+s9+$0x0] =	vst.idx.add.f32.msk vm15, v2  }
0x6d: {  	s10 =	sadd.s32 $0x1, s10  }
0x6e: {  	p0 =	sne.s32 s10, s6  }
.Ltmp2:
0x6f: {  	_ = 	snop;
	(pc) =	sbr.rel @p0 .LBB2_1-.Ltmp2, $4  }
0x70: {  	[hbm4b:s5+s2] =	stream.linear.scatter [tilespmem:s9], [sflag:$0x1], $0x8000, $0x38;
	[tilespmem:$0x18000] =	vst v63  }
0x71: {  	_ =	swait.ge [sflag:s7], $0x8000  }
0x72: {  	[sflag:s7] =	ssyncset.done $0x0  }
0x73: {  	[sflag:s7] =	ssyncadd.s32 $0xFFFF8000  }
0x74: {  	_ =	sfence.sel $0x180000  }
0x75: {  	[bflag:$0x0] =	sbarrier.arrive $0xFFFF  }
0x76: {  	p0 =	sne.s32 s1, $0x0;
	_ =	strace $0x9000004A  }
0x77: {  	s0 =	sadd.s32 @!p0 $0x100000, s0;
	[bflag:$0x2] =	sbarrier.arrive $0xFFFF  }
0x78: {  	[sflag:s0] =	ssyncadd.tile.s32 @!p0 $0x1;
	_ =	shalt  }
.Lfunc_end2:
_tile_overlayer_lowered:
.L_overlay_start_2:
0x79: {  	(tag) =	ssettag $0x2  }
0x7a: {  	s0 =	rddreg [dreg:$0x0];
	s2 =	stileid.u32  }
0x7b: {  	s1 =	rddreg [dreg:$0x1];
	p0 =	sne.s32 s2, $0x0  }
0x7c: {  	s3 =	rddreg [dreg:$0x2];
	[bflag:$0x3] =	sbarrier.arrive $0xFFFF;
	s2 =	simm.s32 @!p0 $0x1C01  }
0x7d: {  	[timem:s3], [sflag:s2] =	dma.local @!p0 [hbm:s0], s1  }
0x7e: {  	s0 =	simm.s32 @!p0 $0x1  }
0x7f: {  	_ =	swait.ge @!p0 [sflag:s0], s1  }
0x80: {  	s1 =	ssub.s32 @!p0 $0x0, s1;
	[sflag:s0] =	ssyncset.done @!p0 $0x0  }
0x81: {  	[sflag:s0] =	ssyncadd.s32 @!p0 s1  }
0x82: {  	[bflag:$0x3] =	sbarrier.arrive $0xFFFF  }
0x83: {  	_ =	shalt  }

// kernel: kernel.15.cloned.1.call-start
scs
__scs_entry_jumppad:
0x0: {  	(pc) =	sbr.rel $0x88, $3  }
0x1: {  	(tag) =	ssettag $0x0;
	lr =	simm.s32 $0x1  }
0x2: {  	[smem:$0x3F90] =	sst lr;
	_ =	strace $0xD0000000  }
0x3: {  	_ = 	snop  }
0x4: {  	_ = 	snop  }
0x5: {  	_ = 	snop  }
0x6: {  	_ = 	snop  }
0x7: {  	_ = 	snop  }
__scs_overlays_trampoline_lowered:
0x8: {  	[smem:$0x3F9F] =	sst s0  }
0x9: {  	[smem:$0x3FA0] =	sst s1  }
0xa: {  	[smem:$0x3FA1] =	sst s2  }
0xb: {  	[smem:$0x3FA2] =	sst s3  }
0xc: {  	[smem:$0x3FA3] =	sst s4  }
0xd: {  	[smem:$0x3FA4] =	sst s5  }
0xe: {  	[smem:$0x3FA5] =	sst s6  }
0xf: {  	[smem:$0x3FA6] =	sst s7  }
0x10: {  	[smem:$0x3FA7] =	sst s8  }
0x11: {  	[smem:$0x3FA8] =	sst s9;
	s0 =	simm.s32 @!p0 $0x0  }
0x12: {  	s1 =	sld [smem:$0x3F8E];
	s0 =	simm.s32 @p0 $0x1  }
0x13: {  	[smem:$0x3FA9] =	sst s0;
	s0 =	simm.s32 @!p1 $0x0  }
0x14: {  	s2 =	sld [smem:$0x3F8D];
	s0 =	simm.s32 @p1 $0x1  }
0x15: {  	[smem:$0x3FAA] =	sst s0;
	s0 =	simm.s32 @!p2 $0x0  }
0x16: {  	s3 =	sld [smem:$0x3FDB];
	s0 =	simm.s32 @p2 $0x1  }
0x17: {  	s4 =	simm.s32 $0x1BF5;
	[smem:$0x3FAC] =	sst s0  }
0x18: {  	s0 =	sld [smem:$0x3F8F];
	_ =	swait.ge [sflag:s4], $0x0  }
0x19: {  	s7 =	sld [smem:$0x3F90]  }
0x1a: {  	s8 =	sadd.s32 $0xFFFFE003, lr  }
0x1b: {  	s9 =	sadd.s32 $0xFFFFFEF7, lr;
	s5 =	simm.s32 $0xFFFFFFFF;
	p2 =	slt.u32 s8, $0xFFFFF086  }
0x1c: {  	p1 =	slt.u32 s9, $0xF7A;
	s5 =	simm.s32 @!p2 $0x0  }
0x1d: {  	s5 =	simm.s32 @p1 $0x1;
	p0 =	seq.s32 s7, s2  }
0x1e: {  	s7 =	smul.u32 @!p0 $0xF7A, s2;
	p2 =	seq.s32 @!p0 s5, $0x0  }
0x1f: {  	s9 =	smul.u32 $0xF7A, s1;
	s8 =	simm.s32 @!p0 $0x1BF5;
	p2 =	por !p2, p0  }
0x20: {  	[sflag:s8] =	ssyncset.s32 @!p0 $0xFFFFF086;
	s6 =	sadd.s32 @!p0 s3, s7;
	s7 =	simm.s32 @!p0 $0x108  }
0x21: {  	s3 =	sadd.s32 s3, s9;
	s6 =	sadd.s32 @!p0 $0x88, s6;
	s7 =	simm.s32 @p2 $0x1082  }
0x22: {  	[simem:s7], [sflag:s8] =	dma.local @!p0 [hbm:s6], $0xF7A  }
0x23: {  	s9 =	sor.u32 $0xD0000000, s2;
	s6 =	simm.s32 $0x108;
	_ =	swait.ge @!p0 [sflag:s8], $0x0  }
0x24: {  	s3 =	sadd.s32 $0x88, s3;
	s6 =	simm.s32 @!p1 $0x1082;
	[sflag:s4] =	ssyncset.s32 $0xFFFFF086  }
0x25: {  	[simem:s6], [sflag:s4] =	dma.local [hbm:s3], $0xF7A  }
0x26: {  	[smem:$0x3F90] =	sst s1;
	(tag) =	ssettag s2;
	_ =	strace s9  }
0x27: {  	s1 =	sld [smem:$0x3FA0]  }
0x28: {  	s2 =	sld [smem:$0x3FA1]  }
0x29: {  	s4 =	sld [smem:$0x3FA3]  }
0x2a: {  	p0 =	seq.s32 s5, $0x0;
	s5 =	sld [smem:$0x3FA4]  }
0x2b: {  	s6 =	sld [smem:$0x3FA5]  }
0x2c: {  	s7 =	sld [smem:$0x3FA6]  }
0x2d: {  	s3 =	simm.s32 $0x108;
	s8 =	sld [smem:$0x3FA7]  }
0x2e: {  	s3 =	simm.s32 @!p0 $0x1082;
	s9 =	sld [smem:$0x3FA8]  }
0x2f: {  	lr =	sadd.s32 s0, s3;
	s0 =	sld [smem:$0x3F9F]  }
0x30: {  	s3 =	sld [smem:$0x3FA2]  }
0x31: {  	[smem:$0x3FAB] =	sst s10  }
0x32: {  	s10 =	sld [smem:$0x3FA9];
	_ =	sdelay $0x3  }
0x33: {  	p0 =	seq.s32 s10, $0x1;
	s10 =	sld [smem:$0x3FAB];
	_ =	sdelay $0x3  }
0x34: {  	[smem:$0x3FAB] =	sst s10  }
0x35: {  	s10 =	sld [smem:$0x3FAA];
	_ =	sdelay $0x3  }
0x36: {  	p1 =	seq.s32 s10, $0x1;
	s10 =	sld [smem:$0x3FAB];
	_ =	sdelay $0x3  }
0x37: {  	[smem:$0x3FAB] =	sst s10  }
0x38: {  	s10 =	sld [smem:$0x3FAC]  }
0x39: {  	_ = 	snop;
	(pc) =	sbr.ind lr, $3  }
0x3a: {  	_ = 	snop  }
0x3b: {  	_ = 	snop  }
0x3c: {  	p2 =	seq.s32 s10, $0x1;
	s10 =	sld [smem:$0x3FAB]  }
0x3d: {  	_ =	shalt  }
0x3e: {  	_ =	shalt  }
0x3f: {  	_ =	shalt  }
0x40: {  	_ =	shalt  }
0x41: {  	_ =	shalt  }
0x42: {  	_ =	shalt  }
0x43: {  	_ =	shalt  }
0x44: {  	_ =	shalt  }
0x45: {  	_ =	shalt  }
0x46: {  	_ =	shalt  }
0x47: {  	_ =	shalt  }
0x48: {  	_ =	shalt  }
0x49: {  	_ =	shalt  }
0x4a: {  	_ =	shalt  }
0x4b: {  	_ =	shalt  }
0x4c: {  	_ =	shalt  }
0x4d: {  	_ =	shalt  }
0x4e: {  	_ =	shalt  }
0x4f: {  	_ =	shalt  }
0x50: {  	_ =	shalt  }
0x51: {  	_ =	shalt  }
0x52: {  	_ =	shalt  }
0x53: {  	_ =	shalt  }
0x54: {  	_ =	shalt  }
0x55: {  	_ =	shalt  }
0x56: {  	_ =	shalt  }
0x57: {  	_ =	shalt  }
0x58: {  	_ =	shalt  }
0x59: {  	_ =	shalt  }
0x5a: {  	_ =	shalt  }
0x5b: {  	_ =	shalt  }
0x5c: {  	_ =	shalt  }
0x5d: {  	_ =	shalt  }
0x5e: {  	_ =	shalt  }
0x5f: {  	_ =	shalt  }
0x60: {  	_ =	shalt  }
0x61: {  	_ =	shalt  }
0x62: {  	_ =	shalt  }
0x63: {  	_ =	shalt  }
0x64: {  	_ =	shalt  }
0x65: {  	_ =	shalt  }
0x66: {  	_ =	shalt  }
0x67: {  	_ =	shalt  }
0x68: {  	_ =	shalt  }
0x69: {  	_ =	shalt  }
0x6a: {  	_ =	shalt  }
0x6b: {  	_ =	shalt  }
0x6c: {  	_ =	shalt  }
0x6d: {  	_ =	shalt  }
0x6e: {  	_ =	shalt  }
0x6f: {  	_ =	shalt  }
0x70: {  	_ =	shalt  }
0x71: {  	_ =	shalt  }
0x72: {  	_ =	shalt  }
0x73: {  	_ =	shalt  }
0x74: {  	_ =	shalt  }
0x75: {  	_ =	shalt  }
0x76: {  	_ =	shalt  }
0x77: {  	_ =	shalt  }
0x78: {  	_ =	shalt  }
0x79: {  	_ =	shalt  }
0x7a: {  	_ =	shalt  }
0x7b: {  	_ =	shalt  }
0x7c: {  	_ =	shalt  }
0x7d: {  	_ =	shalt  }
0x7e: {  	_ =	shalt  }
0x7f: {  	_ =	shalt  }
0x80: {  	_ =	shalt  }
0x81: {  	_ =	shalt  }
0x82: {  	_ =	shalt  }
0x83: {  	_ =	shalt  }
0x84: {  	_ =	shalt  }
0x85: {  	_ =	shalt  }
0x86: {  	_ =	shalt  }
0x87: {  	_ =	shalt  }
.Lfunc_end0:
.L_simem_size_0:
called_computation.2_lowered:
.L_overlay_start_0:
0x88: {  	s2 =	sld [smem:$0x3FD9]  }
0x89: {  	s3 =	sld [smem:$0x3FFE];
	_ =	sdelay $0x1  }
0x8a: {  	s1 =	srdreg.scid  }
0x8b: {  	s0 =	sand.u32 $0x1, s1  }
0x8c: {  	s17 =	sshll.u32 s0, $0xA;
	s2 =	sadd.s32 s3, s2  }
0x8d: {  	s2 =	sadd.s32 s2, s17  }
0x8e: {  	[smem:$0x3FB7] =	sst s2  }
0x8f: {  	_ = 	snop  }
0x90: {  	s18 =	sld [smem:$0x3FD0];
	(tm) =	ssettm $0x1  }
0x91: {  	s19 =	sld [smem:$0x3FFB];
	_ =	sdelay $0x3  }
0x92: {  	_ =	strace s19  }
0x93: {  	s2 =	sld [smem:$0x3FFC];
	_ =	sdelay $0x3  }
0x94: {  	_ =	strace s2  }
0x95: {  	s2 =	sld [smem:$0x3FFD];
	_ =	sdelay $0x3  }
0x96: {  	_ =	strace s2  }
0x97: {  	_ =	strace $0x8FFFFFFF  }
0x98: {  	s20 =	sld [smem:$0x3FDB];
	_ =	sdelay $0x1  }
0x99: {  	s4 =	simm.s32 $_scs_section_size  }
0x9a: {  	s5 =	simm.s32 $_size__tile_overlayer_lowered;
	s6 =	simm.s32 $_tile_overlayer_lowered  }
0x9b: {  	s7 =	simm.s32 $0x1BFF;
	s21 =	sshll.u32 s6, $0x1;
	s4 =	sadd.s32 s4, s20  }
0x9c: {  	s22 =	simm.s32 $0x0;
	s5 =	sshll.u32 s5, $0x1;
	s6 =	sadd.s32 s21, s4  }
0x9d: {  	[timem:s22], [sflag:s7] =	dma.local [hbm:s6], s5  }
0x9e: {  	_ =	swait.ge [sflag:s7], s5  }
0x9f: {  	s5 =	ssub.s32 $0x0, s5;
	[sflag:s7] =	ssyncset.done $0x0  }
0xa0: {  	[sflag:s7] =	ssyncadd.s32 s5;
	_ =	sdelay $0x1  }
0xa1: {  	s23 =	simm.s32 $0x1B8B  }
0xa2: {  	_ =	swait.ge [sflag:s23], $0x1  }
0xa3: {  	[sflag:s23] =	ssyncset.done $0x0  }
0xa4: {  	[sflag:s23] =	ssyncadd.s32 $0xFFFFFFFF  }
0xa5: {  	s5 =	sld [smem:$0x0]  }
0xa6: {  	s6 =	sand.u32 $0xFFFFFFFE, s1  }
0xa7: {  	p0 =	sne.s32 s1, s6  }
0xa8: {  	s6 =	sshll.u32 @p0 s6, $0xE  }
0xa9: {  	s6 =	sadd.s32 @p0 $0x11B8D, s6;
	s7 =	sshll.u32 @p0 s5, $0x11  }
0xaa: {  	s6 =	sor.u32 @p0 s7, s6  }
0xab: {  	[sflag:s6] =	ssyncadd.remote.s32 @p0 $0x1;
	_ =	sdelay $0x1  }
0xac: {  	s6 =	simm.s32 @p0 $0x1B8D  }
0xad: {  	_ =	swait.eq @p0 [sflag:s6], $0x1  }
0xae: {  	[sflag:s6] =	ssyncadd.s32 @p0 $0xFFFFFFFF  }
0xaf: {  	s7 =	sshll.u32 @!p0 s1, $0xE  }
0xb0: {  	s7 =	sor.u32 @!p0 $0x4000, s7;
	s6 =	simm.s32 @!p0 $0x1B8D  }
0xb1: {  	s5 =	sshll.u32 @!p0 s5, $0x11;
	s7 =	sadd.s32 @!p0 $0x11B8D, s7;
	_ =	swait.eq @!p0 [sflag:s6], $0x1  }
0xb2: {  	s5 =	sor.u32 @!p0 s5, s7;
	[sflag:s6] =	ssyncadd.s32 @!p0 $0xFFFFFFFF  }
0xb3: {  	s25 =	simm.s32 $0x1B8E;
	s24 =	sld [smem:$0x3FFE];
	[sflag:s5] =	ssyncadd.remote.s32 @!p0 $0x1  }
0xb4: {  	s26 =	simm.s32 $execute0_lowered;
	[smem:$0x3FD2] =	sst s25  }
0xb5: {  	s6 =	sshll.u32 s26, $0x1;
	_ =	strace $0x8000004C;
	[dreg:$0x1] =	wrdreg $0xFFFFFFFF  }
0xb6: {  	s28 =	simm.s32 $_size_execute0_lowered;
	s4 =	sadd.s32 s4, s6;
	[dreg:$0x0] =	wrdreg $0x0  }
0xb7: {  	s6 =	sshll.u32 s28, $0x1;
	[dreg:$0x2] =	wrdreg s4  }
0xb8: {  	[dreg:$0x3] =	wrdreg s6  }
0xb9: {  	[dreg:$0x4] =	wrdreg $0xC0  }
0xba: {  	_ =	task [dreg:s22], $0x5FFFF  }
0xbb: {  	[dreg:$0x1] =	wrdreg $0xFFFFFFFF  }
0xbc: {  	[dreg:$0x0] =	wrdreg $0x60  }
0xbd: {  	[dreg:$0x2] =	wrdreg s18  }
0xbe: {  	[dreg:$0x3] =	wrdreg s24  }
0xbf: {  	[dreg:$0x4] =	wrdreg $0xB  }
0xc0: {  	_ =	task.clear_ibuf [dreg:s22], $0x5FFFF;
	_ =	strace $0x9000004C  }
0xc1: {  	s29 =	simm.s32 $0xB;
	_ =	strace $0x8000004E  }
0xc2: {  	_ =	swait.ge [sflag:s29], $0x1  }
0xc3: {  	[sflag:s29] =	ssyncadd.s32 $0xFFFFFFFF  }
0xc4: {  	_ =	strace $0x9000004E  }
0xc5: {  	_ =	sfence  }
0xc6: {  	s30 =	sld [smem:$0x0];
	_ =	sdelay $0x2  }
0xc7: {  	s31 =	sshll.u32 s1, $0xD;
	s1 =	sshrl.u32 s1, $0x2  }
0xc8: {  	s4 =	sand.u32 $0x4000, s31;
	s1 =	sadd.s32 s1, s30  }
0xc9: {  	s0 =	sor.u32 s4, s0;
	s1 =	sshll.u32 s1, $0x11  }
0xca: {  	s0 =	sor.u32 s1, s0  }
0xcb: {  	s0 =	sadd.s32 $0x8F2B, s0  }
0xcc: {  	[sflag:s0] =	ssyncadd.remote.s32 $0x1  }
0xcd: {  	_ =	sfence.sel $0xFFFF  }
0xce: {  	[dreg:$0x0] =	wrdreg $0xFFFFFFFF;
	(pc) =	sbr.abs _section_cstart, $3  }
0xcf: {  	[dreg:$0x1] =	wrdreg $0xFFFFFFFF  }
0xd0: {  	_ =	task.clear_ibuf [dreg:s22], $0x2FFFF;
	_ =	strace $0x9FFFFFFF  }
0xd1: {  	(tm) =	ssettm $0x7FFFFFFF  }
tec
execute0_lowered:
.L_overlay_start_1:
0x0: {  	(tag) =	ssettag $0x1  }
0x1: {  	s2 =	rddreg [dreg:$0x0]  }
0x2: {  	s1 =	srdreg.scid;
	s0 =	stileid.u32  }
0x3: {  	s4 =	rddreg [dreg:$0x1];
	s3 =	simm.s32 $0x0;
	s10 =	simm.s32 $0x0  }
0x4: {  	s5 =	sand.u32 $0x1, s1;
	s6 =	sshll.u32 s0, $0x1;
	s1 =	rddreg [dreg:$0x2]  }
0x5: {  	[smem:$0x7FF] =	sst s3;
	s6 =	sor.u32 s5, s6;
	s5 =	ssub.s32 $0x2, s5  }
0x6: {  	_ =	strace $0x8000004D;
	s7 =	sshll.u32 s6, $0xC;
	s31 =	sshrl.u32 s5, $0x1  }
0x7: {  	s9 =	sshll.u32 s6, $0x5;
	s7 =	sadd.s32 s7, s4;
	s8 =	ssub.s32 s5, s31  }
0x8: {  	s4 =	sadd.s32 $0x1000, s2;
	v0 =	vmov s9;
	s9 =	simm.s32 $0x10000;
	s5 =	sadd.s32 $0x46A00, s7  }
0x9: {  	v1 =	vimm.f32 $0.0e+00;
	v2 =	vimm.f32 $1.000000000e+00;
	s6 =	smax.u32 s8, $0x1;
	s7 =	simm.s32 $0x1;
	s8 =	simm.s32 $0x8000  }
.LBB2_1:
0xa: {  	s11 =	simm.s32 $0x10080  }
0xb: {  	[tilespmem:s11+$0xFFFFFF80] =	vst v1  }
0xc: {  	[tilespmem:s11+$0x70] =	vst v1  }
0xd: {  	[tilespmem:s11+$0x60] =	vst v1  }
0xe: {  	[tilespmem:s11+$0x50] =	vst v1  }
0xf: {  	[tilespmem:s11+$0x40] =	vst v1  }
0x10: {  	[tilespmem:s11+$0x30] =	vst v1  }
0x11: {  	[tilespmem:s11+$0x20] =	vst v1  }
0x12: {  	[tilespmem:s11+$0x10] =	vst v1  }
0x13: {  	[tilespmem:s11+$0x0] =	vst v1  }
0x14: {  	[tilespmem:s11+$0xFFFFFFF0] =	vst v1  }
0x15: {  	[tilespmem:s11+$0xFFFFFFE0] =	vst v1  }
0x16: {  	[tilespmem:s11+$0xFFFFFFD0] =	vst v1  }
0x17: {  	[tilespmem:s11+$0xFFFFFFC0] =	vst v1  }
0x18: {  	[tilespmem:s11+$0xFFFFFFB0] =	vst v1  }
0x19: {  	s12 =	simm.s32 $0x0;
	[tilespmem:s11+$0xFFFFFFA0] =	vst v1  }
.LBB2_2:
0x1a: {  	s12 =	sadd.s32 $0x10, s12;
	[tilespmem:s11+$0xFFFFFF90] =	vst v1;
	s11 =	sadd.s32 $0x100, s11  }
0x1b: {  	[tilespmem:s11+$0xFFFFFF80] =	vst v1;
	p0 =	slt.u32 s12, $0x7F0  }
0x1c: {  	[tilespmem:s11+$0x70] =	vst v1  }
0x1d: {  	[tilespmem:s11+$0x60] =	vst v1  }
0x1e: {  	[tilespmem:s11+$0x50] =	vst v1  }
0x1f: {  	[tilespmem:s11+$0x40] =	vst v1  }
0x20: {  	[tilespmem:s11+$0x30] =	vst v1  }
0x21: {  	[tilespmem:s11+$0x20] =	vst v1  }
0x22: {  	[tilespmem:s11+$0x10] =	vst v1  }
0x23: {  	[tilespmem:s11+$0x0] =	vst v1  }
0x24: {  	[tilespmem:s11+$0xFFFFFFF0] =	vst v1  }
.Ltmp0:
0x25: {  	[tilespmem:s11+$0xFFFFFFE0] =	vst v1;
	(pc) =	sbr.rel @p0 .LBB2_2-.Ltmp0, $4  }
0x26: {  	[tilespmem:s11+$0xFFFFFFD0] =	vst v1  }
0x27: {  	[tilespmem:s11+$0xFFFFFFC0] =	vst v1  }
0x28: {  	[tilespmem:s11+$0xFFFFFFB0] =	vst v1  }
0x29: {  	[tilespmem:s11+$0xFFFFFFA0] =	vst v1  }
0x2a: {  	[tilespmem:s11+$0xFFFFFF90] =	vst v1  }
0x2b: {  	[tilespmem:s3], [sflag:$0x1] =	stream.linear.gather [hbm4b:s2+s3], $0x8000, $0x38;
	[tilespmem:$0x18000] =	vst v63  }
0x2c: {  	_ =	swait.ge [sflag:s7], $0x8000  }
0x2d: {  	[sflag:s7] =	ssyncset.done $0x0  }
0x2e: {  	[sflag:s7] =	ssyncadd.s32 $0xFFFF8000  }
0x2f: {  	[tilespmem:s8], [sflag:$0x1] =	stream.linear.gather [hbm4b:s4+s3], $0x8000, $0x38;
	[tilespmem:$0x18000] =	vst v63  }
0x30: {  	_ =	swait.ge [sflag:s7], $0x8000  }
0x31: {  	s11 =	simm.s32 $0xFFFFFFF8;
	[sflag:s7] =	ssyncset.done $0x0  }
0x32: {  	s12 =	simm.s32 $0x40;
	s13 =	simm.s32 $0x8040;
	[sflag:s7] =	ssyncadd.s32 $0xFFFF8000  }
.LBB2_4:
0x33: {  	v3 =	vld [tilespmem:s13+$0xFFFFFFC0];
	_ =	sdelay $0x1  }
0x34: {  	v4 =	vld [tilespmem:s12+$0xFFFFFFC0];
	_ =	sdelay $0x2  }
0x35: {  	v3 =	vsub.s32 v3, v0  }
0x36: {  	v5 =	vshll.u32 v3, $0xA  }
0x37: {  	vm0 =	vlt.u32 v3, $0x20;
	v3 =	vadd.s32 v4, v5  }
0x38: {  	v3 =	vnsel vm0, $0x0, v3;
	_ =	sdelay $0x4  }
0x39: {  	[tilespmem:v3+s9+$0x0] =	vst.idx.add.f32.msk vm0, v2  }
0x3a: {  	v3 =	vld [tilespmem:s13+$0xFFFFFFD0];
	_ =	sdelay $0x1  }
0x3b: {  	v50 =	vld [tilespmem:s12+$0xFFFFFFD0];
	_ =	sdelay $0x2  }
0x3c: {  	v3 =	vsub.s32 v3, v0  }
0x3d: {  	v51 =	vshll.u32 v3, $0xA  }
0x3e: {  	vm9 =	vlt.u32 v3, $0x20;
	v3 =	vadd.s32 v50, v51  }
0x3f: {  	v3 =	vnsel vm9, $0x0, v3;
	_ =	sdelay $0x4  }
0x40: {  	[tilespmem:v3+s9+$0x0] =	vst.idx.add.f32.msk vm9, v2  }
0x41: {  	v3 =	vld [tilespmem:s13+$0xFFFFFFE0];
	_ =	sdelay $0x1  }
0x42: {  	v52 =	vld [tilespmem:s12+$0xFFFFFFE0];
	_ =	sdelay $0x2  }
0x43: {  	v3 =	vsub.s32 v3, v0  }
0x44: {  	v53 =	vshll.u32 v3, $0xA  }
0x45: {  	vm10 =	vlt.u32 v3, $0x20;
	v3 =	vadd.s32 v52, v53  }
0x46: {  	v3 =	vnsel vm10, $0x0, v3;
	_ =	sdelay $0x4  }
0x47: {  	[tilespmem:v3+s9+$0x0] =	vst.idx.add.f32.msk vm10, v2  }
0x48: {  	v3 =	vld [tilespmem:s13+$0xFFFFFFF0];
	_ =	sdelay $0x1  }
0x49: {  	v54 =	vld [tilespmem:s12+$0xFFFFFFF0];
	_ =	sdelay $0x2  }
0x4a: {  	v3 =	vsub.s32 v3, v0  }
0x4b: {  	v55 =	vshll.u32 v3, $0xA  }
0x4c: {  	vm11 =	vlt.u32 v3, $0x20;
	v3 =	vadd.s32 v54, v55  }
0x4d: {  	v3 =	vnsel vm11, $0x0, v3;
	_ =	sdelay $0x4  }
0x4e: {  	[tilespmem:v3+s9+$0x0] =	vst.idx.add.f32.msk vm11, v2  }
0x4f: {  	v3 =	vld [tilespmem:s13+$0x0];
	_ =	sdelay $0x1  }
0x50: {  	v56 =	vld [tilespmem:s12+$0x0];
	_ =	sdelay $0x2  }
0x51: {  	v3 =	vsub.s32 v3, v0  }
0x52: {  	v57 =	vshll.u32 v3, $0xA  }
0x53: {  	vm12 =	vlt.u32 v3, $0x20;
	v3 =	vadd.s32 v56, v57  }
0x54: {  	v3 =	vnsel vm12, $0x0, v3;
	_ =	sdelay $0x4  }
0x55: {  	[tilespmem:v3+s9+$0x0] =	vst.idx.add.f32.msk vm12, v2  }
0x56: {  	v3 =	vld [tilespmem:s13+$0x10];
	_ =	sdelay $0x1  }
0x57: {  	v58 =	vld [tilespmem:s12+$0x10];
	_ =	sdelay $0x2  }
0x58: {  	v3 =	vsub.s32 v3, v0  }
0x59: {  	v59 =	vshll.u32 v3, $0xA  }
0x5a: {  	vm13 =	vlt.u32 v3, $0x20;
	v3 =	vadd.s32 v58, v59  }
0x5b: {  	v3 =	vnsel vm13, $0x0, v3;
	_ =	sdelay $0x4  }
0x5c: {  	[tilespmem:v3+s9+$0x0] =	vst.idx.add.f32.msk vm13, v2  }
0x5d: {  	v3 =	vld [tilespmem:s13+$0x20];
	_ =	sdelay $0x1  }
0x5e: {  	v60 =	vld [tilespmem:s12+$0x20];
	_ =	sdelay $0x2  }
0x5f: {  	v3 =	vsub.s32 v3, v0  }
0x60: {  	v61 =	vshll.u32 v3, $0xA  }
0x61: {  	vm14 =	vlt.u32 v3, $0x20;
	v3 =	vadd.s32 v60, v61  }
0x62: {  	v3 =	vnsel vm14, $0x0, v3;
	_ =	sdelay $0x4  }
0x63: {  	[tilespmem:v3+s9+$0x0] =	vst.idx.add.f32.msk vm14, v2  }
0x64: {  	v3 =	vld [tilespmem:s13+$0x30];
	_ =	sdelay $0x1  }
0x65: {  	v62 =	vld [tilespmem:s12+$0x30];
	_ =	sdelay $0x2  }
0x66: {  	v3 =	vsub.s32 v3, v0  }
0x67: {  	v63 =	vshll.u32 v3, $0xA  }
0x68: {  	s11 =	sadd.s32 $0x8, s11;
	vm15 =	vlt.u32 v3, $0x20;
	v3 =	vadd.s32 v62, v63  }
0x69: {  	p0 =	slt.u32 s11, $0x7F8;
	v3 =	vnsel vm15, $0x0, v3  }
.Ltmp1:
0x6a: {  	_ = 	snop;
	(pc) =	sbr.rel @p0 .LBB2_4-.Ltmp1, $2  }
0x6b: {  	_ =	sdelay $0x2  }
0x6c: {  	s12 =	sadd.s32 $0x80, s12;
	s13 =	sadd.s32 $0x80, s13;
	[tilespmem:v3+s9+$0x0] =	vst.idx.add.f32.msk vm15, v2  }
0x6d: {  	s10 =	sadd.s32 $0x1, s10  }
0x6e: {  	p0 =	sne.s32 s10, s6  }
.Ltmp2:
0x6f: {  	_ = 	snop;
	(pc) =	sbr.rel @p0 .LBB2_1-.Ltmp2, $4  }
0x70: {  	[hbm4b:s5+s3] =	stream.linear.scatter [tilespmem:s9], [sflag:$0x1], $0x8000, $0x38;
	[tilespmem:$0x18000] =	vst v63  }
0x71: {  	_ =	swait.ge [sflag:s7], $0x8000  }
0x72: {  	[sflag:s7] =	ssyncset.done $0x0  }
0x73: {  	[sflag:s7] =	ssyncadd.s32 $0xFFFF8000  }
0x74: {  	_ =	sfence.sel $0x180000  }
0x75: {  	[bflag:$0x0] =	sbarrier.arrive $0xFFFF  }
0x76: {  	p0 =	sne.s32 s0, $0x0;
	_ =	strace $0x9000004D  }
0x77: {  	s0 =	sadd.s32 @!p0 $0x100000, s1;
	[bflag:$0x2] =	sbarrier.arrive $0xFFFF  }
0x78: {  	[sflag:s0] =	ssyncadd.tile.s32 @!p0 $0x1;
	_ =	shalt  }
.Lfunc_end2:
_tile_overlayer_lowered:
.L_overlay_start_2:
0x79: {  	(tag) =	ssettag $0x2  }
0x7a: {  	s0 =	rddreg [dreg:$0x0];
	s2 =	stileid.u32  }
0x7b: {  	s1 =	rddreg [dreg:$0x1];
	p0 =	sne.s32 s2, $0x0  }
0x7c: {  	s3 =	rddreg [dreg:$0x2];
	[bflag:$0x3] =	sbarrier.arrive $0xFFFF;
	s2 =	simm.s32 @!p0 $0x1C01  }
0x7d: {  	[timem:s3], [sflag:s2] =	dma.local @!p0 [hbm:s0], s1  }
0x7e: {  	s0 =	simm.s32 @!p0 $0x1  }
0x7f: {  	_ =	swait.ge @!p0 [sflag:s0], s1  }
0x80: {  	s1 =	ssub.s32 @!p0 $0x0, s1;
	[sflag:s0] =	ssyncset.done @!p0 $0x0  }
0x81: {  	[sflag:s0] =	ssyncadd.s32 @!p0 s1  }
0x82: {  	[bflag:$0x3] =	sbarrier.arrive $0xFFFF  }
0x83: {  	_ =	shalt  }

// kernel: kernel.9.cloned.1.call-start
scs
__scs_entry_jumppad:
0x0: {  	(pc) =	sbr.rel $0x88, $3  }
0x1: {  	(tag) =	ssettag $0x0;
	lr =	simm.s32 $0x1  }
0x2: {  	[smem:$0x3F90] =	sst lr;
	_ =	strace $0xD0000000  }
0x3: {  	_ = 	snop  }
0x4: {  	_ = 	snop  }
0x5: {  	_ = 	snop  }
0x6: {  	_ = 	snop  }
0x7: {  	_ = 	snop  }
__scs_overlays_trampoline_lowered:
0x8: {  	[smem:$0x3F9F] =	sst s0  }
0x9: {  	[smem:$0x3FA0] =	sst s1  }
0xa: {  	[smem:$0x3FA1] =	sst s2  }
0xb: {  	[smem:$0x3FA2] =	sst s3  }
0xc: {  	[smem:$0x3FA3] =	sst s4  }
0xd: {  	[smem:$0x3FA4] =	sst s5  }
0xe: {  	[smem:$0x3FA5] =	sst s6  }
0xf: {  	[smem:$0x3FA6] =	sst s7  }
0x10: {  	[smem:$0x3FA7] =	sst s8  }
0x11: {  	[smem:$0x3FA8] =	sst s9;
	s0 =	simm.s32 @!p0 $0x0  }
0x12: {  	s1 =	sld [smem:$0x3F8E];
	s0 =	simm.s32 @p0 $0x1  }
0x13: {  	[smem:$0x3FA9] =	sst s0;
	s0 =	simm.s32 @!p1 $0x0  }
0x14: {  	s2 =	sld [smem:$0x3F8D];
	s0 =	simm.s32 @p1 $0x1  }
0x15: {  	[smem:$0x3FAA] =	sst s0;
	s0 =	simm.s32 @!p2 $0x0  }
0x16: {  	s3 =	sld [smem:$0x3FDB];
	s0 =	simm.s32 @p2 $0x1  }
0x17: {  	s4 =	simm.s32 $0x1BF5;
	[smem:$0x3FAC] =	sst s0  }
0x18: {  	s0 =	sld [smem:$0x3F8F];
	_ =	swait.ge [sflag:s4], $0x0  }
0x19: {  	s7 =	sld [smem:$0x3F90]  }
0x1a: {  	s8 =	sadd.s32 $0xFFFFE003, lr  }
0x1b: {  	s9 =	sadd.s32 $0xFFFFFEF7, lr;
	s5 =	simm.s32 $0xFFFFFFFF;
	p2 =	slt.u32 s8, $0xFFFFF086  }
0x1c: {  	p1 =	slt.u32 s9, $0xF7A;
	s5 =	simm.s32 @!p2 $0x0  }
0x1d: {  	s5 =	simm.s32 @p1 $0x1;
	p0 =	seq.s32 s7, s2  }
0x1e: {  	s7 =	smul.u32 @!p0 $0xF7A, s2;
	p2 =	seq.s32 @!p0 s5, $0x0  }
0x1f: {  	s9 =	smul.u32 $0xF7A, s1;
	s8 =	simm.s32 @!p0 $0x1BF5;
	p2 =	por !p2, p0  }
0x20: {  	[sflag:s8] =	ssyncset.s32 @!p0 $0xFFFFF086;
	s6 =	sadd.s32 @!p0 s3, s7;
	s7 =	simm.s32 @!p0 $0x108  }
0x21: {  	s3 =	sadd.s32 s3, s9;
	s6 =	sadd.s32 @!p0 $0x88, s6;
	s7 =	simm.s32 @p2 $0x1082  }
0x22: {  	[simem:s7], [sflag:s8] =	dma.local @!p0 [hbm:s6], $0xF7A  }
0x23: {  	s9 =	sor.u32 $0xD0000000, s2;
	s6 =	simm.s32 $0x108;
	_ =	swait.ge @!p0 [sflag:s8], $0x0  }
0x24: {  	s3 =	sadd.s32 $0x88, s3;
	s6 =	simm.s32 @!p1 $0x1082;
	[sflag:s4] =	ssyncset.s32 $0xFFFFF086  }
0x25: {  	[simem:s6], [sflag:s4] =	dma.local [hbm:s3], $0xF7A  }
0x26: {  	[smem:$0x3F90] =	sst s1;
	(tag) =	ssettag s2;
	_ =	strace s9  }
0x27: {  	s1 =	sld [smem:$0x3FA0]  }
0x28: {  	s2 =	sld [smem:$0x3FA1]  }
0x29: {  	s4 =	sld [smem:$0x3FA3]  }
0x2a: {  	p0 =	seq.s32 s5, $0x0;
	s5 =	sld [smem:$0x3FA4]  }
0x2b: {  	s6 =	sld [smem:$0x3FA5]  }
0x2c: {  	s7 =	sld [smem:$0x3FA6]  }
0x2d: {  	s3 =	simm.s32 $0x108;
	s8 =	sld [smem:$0x3FA7]  }
0x2e: {  	s3 =	simm.s32 @!p0 $0x1082;
	s9 =	sld [smem:$0x3FA8]  }
0x2f: {  	lr =	sadd.s32 s0, s3;
	s0 =	sld [smem:$0x3F9F]  }
0x30: {  	s3 =	sld [smem:$0x3FA2]  }
0x31: {  	[smem:$0x3FAB] =	sst s10  }
0x32: {  	s10 =	sld [smem:$0x3FA9];
	_ =	sdelay $0x3  }
0x33: {  	p0 =	seq.s32 s10, $0x1;
	s10 =	sld [smem:$0x3FAB];
	_ =	sdelay $0x3  }
0x34: {  	[smem:$0x3FAB] =	sst s10  }
0x35: {  	s10 =	sld [smem:$0x3FAA];
	_ =	sdelay $0x3  }
0x36: {  	p1 =	seq.s32 s10, $0x1;
	s10 =	sld [smem:$0x3FAB];
	_ =	sdelay $0x3  }
0x37: {  	[smem:$0x3FAB] =	sst s10  }
0x38: {  	s10 =	sld [smem:$0x3FAC]  }
0x39: {  	_ = 	snop;
	(pc) =	sbr.ind lr, $3  }
0x3a: {  	_ = 	snop  }
0x3b: {  	_ = 	snop  }
0x3c: {  	p2 =	seq.s32 s10, $0x1;
	s10 =	sld [smem:$0x3FAB]  }
0x3d: {  	_ =	shalt  }
0x3e: {  	_ =	shalt  }
0x3f: {  	_ =	shalt  }
0x40: {  	_ =	shalt  }
0x41: {  	_ =	shalt  }
0x42: {  	_ =	shalt  }
0x43: {  	_ =	shalt  }
0x44: {  	_ =	shalt  }
0x45: {  	_ =	shalt  }
0x46: {  	_ =	shalt  }
0x47: {  	_ =	shalt  }
0x48: {  	_ =	shalt  }
0x49: {  	_ =	shalt  }
0x4a: {  	_ =	shalt  }
0x4b: {  	_ =	shalt  }
0x4c: {  	_ =	shalt  }
0x4d: {  	_ =	shalt  }
0x4e: {  	_ =	shalt  }
0x4f: {  	_ =	shalt  }
0x50: {  	_ =	shalt  }
0x51: {  	_ =	shalt  }
0x52: {  	_ =	shalt  }
0x53: {  	_ =	shalt  }
0x54: {  	_ =	shalt  }
0x55: {  	_ =	shalt  }
0x56: {  	_ =	shalt  }
0x57: {  	_ =	shalt  }
0x58: {  	_ =	shalt  }
0x59: {  	_ =	shalt  }
0x5a: {  	_ =	shalt  }
0x5b: {  	_ =	shalt  }
0x5c: {  	_ =	shalt  }
0x5d: {  	_ =	shalt  }
0x5e: {  	_ =	shalt  }
0x5f: {  	_ =	shalt  }
0x60: {  	_ =	shalt  }
0x61: {  	_ =	shalt  }
0x62: {  	_ =	shalt  }
0x63: {  	_ =	shalt  }
0x64: {  	_ =	shalt  }
0x65: {  	_ =	shalt  }
0x66: {  	_ =	shalt  }
0x67: {  	_ =	shalt  }
0x68: {  	_ =	shalt  }
0x69: {  	_ =	shalt  }
0x6a: {  	_ =	shalt  }
0x6b: {  	_ =	shalt  }
0x6c: {  	_ =	shalt  }
0x6d: {  	_ =	shalt  }
0x6e: {  	_ =	shalt  }
0x6f: {  	_ =	shalt  }
0x70: {  	_ =	shalt  }
0x71: {  	_ =	shalt  }
0x72: {  	_ =	shalt  }
0x73: {  	_ =	shalt  }
0x74: {  	_ =	shalt  }
0x75: {  	_ =	shalt  }
0x76: {  	_ =	shalt  }
0x77: {  	_ =	shalt  }
0x78: {  	_ =	shalt  }
0x79: {  	_ =	shalt  }
0x7a: {  	_ =	shalt  }
0x7b: {  	_ =	shalt  }
0x7c: {  	_ =	shalt  }
0x7d: {  	_ =	shalt  }
0x7e: {  	_ =	shalt  }
0x7f: {  	_ =	shalt  }
0x80: {  	_ =	shalt  }
0x81: {  	_ =	shalt  }
0x82: {  	_ =	shalt  }
0x83: {  	_ =	shalt  }
0x84: {  	_ =	shalt  }
0x85: {  	_ =	shalt  }
0x86: {  	_ =	shalt  }
0x87: {  	_ =	shalt  }
.Lfunc_end0:
.L_simem_size_0:
called_computation_lowered:
.L_overlay_start_0:
0x88: {  	s2 =	sld [smem:$0x3FD9]  }
0x89: {  	s3 =	sld [smem:$0x3FFE];
	_ =	sdelay $0x1  }
0x8a: {  	s1 =	srdreg.scid  }
0x8b: {  	s0 =	sand.u32 $0x1, s1  }
0x8c: {  	s16 =	sshll.u32 s0, $0xA;
	s2 =	sadd.s32 s3, s2  }
0x8d: {  	s2 =	sadd.s32 s2, s16  }
0x8e: {  	[smem:$0x3FB7] =	sst s2  }
0x8f: {  	_ = 	snop  }
0x90: {  	(tm) =	ssettm $0x1  }
0x91: {  	s17 =	sld [smem:$0x3FFB];
	_ =	sdelay $0x3  }
0x92: {  	_ =	strace s17  }
0x93: {  	s2 =	sld [smem:$0x3FFC];
	_ =	sdelay $0x3  }
0x94: {  	_ =	strace s2  }
0x95: {  	s2 =	sld [smem:$0x3FFD];
	_ =	sdelay $0x3  }
0x96: {  	_ =	strace s2  }
0x97: {  	_ =	strace $0x8FFFFFFF  }
0x98: {  	s18 =	sld [smem:$0x3FDB];
	_ =	sdelay $0x1  }
0x99: {  	s19 =	simm.s32 $_scs_section_size  }
0x9a: {  	s4 =	simm.s32 $_size__tile_overlayer_lowered;
	s5 =	simm.s32 $_tile_overlayer_lowered  }
0x9b: {  	s22 =	simm.s32 $0x1BFF;
	s21 =	sshll.u32 s5, $0x1;
	s2 =	sadd.s32 s19, s18  }
0x9c: {  	s6 =	simm.s32 $0x0;
	s20 =	sshll.u32 s4, $0x1;
	s4 =	sadd.s32 s21, s2  }
0x9d: {  	[timem:s6], [sflag:s22] =	dma.local [hbm:s4], s20  }
0x9e: {  	_ =	swait.ge [sflag:s22], s20  }
0x9f: {  	s3 =	ssub.s32 $0x0, s20;
	[sflag:s22] =	ssyncset.done $0x0  }
0xa0: {  	[sflag:s22] =	ssyncadd.s32 s3;
	_ =	sdelay $0x1  }
0xa1: {  	s23 =	simm.s32 $0x1B8B  }
0xa2: {  	_ =	swait.ge [sflag:s23], $0x1  }
0xa3: {  	[sflag:s23] =	ssyncset.done $0x0  }
0xa4: {  	s25 =	simm.s32 $0x1B8E;
	s24 =	sld [smem:$0x3FFE];
	[sflag:s23] =	ssyncadd.s32 $0xFFFFFFFF  }
0xa5: {  	s26 =	simm.s32 $execute0_lowered;
	[smem:$0x3FD2] =	sst s25  }
0xa6: {  	s4 =	sshll.u32 s26, $0x1;
	_ =	strace $0x80000046;
	[dreg:$0x1] =	wrdreg $0xFFFFFFFF  }
0xa7: {  	s28 =	simm.s32 $_size_execute0_lowered;
	s2 =	sadd.s32 s2, s4;
	[dreg:$0x0] =	wrdreg $0x0  }
0xa8: {  	s4 =	sshll.u32 s28, $0x1;
	[dreg:$0x2] =	wrdreg s2  }
0xa9: {  	[dreg:$0x3] =	wrdreg s4  }
0xaa: {  	[dreg:$0x4] =	wrdreg $0xC0  }
0xab: {  	_ =	task [dreg:s6], $0x5FFFF  }
0xac: {  	[dreg:$0x1] =	wrdreg $0xFFFFFFFF  }
0xad: {  	[dreg:$0x0] =	wrdreg $0x60  }
0xae: {  	[dreg:$0x2] =	wrdreg s24  }
0xaf: {  	[dreg:$0x3] =	wrdreg $0x9  }
0xb0: {  	_ =	task.clear_ibuf [dreg:s6], $0x4FFFF;
	_ =	strace $0x90000046  }
0xb1: {  	s29 =	simm.s32 $0x9;
	_ =	strace $0x80000048  }
0xb2: {  	_ =	swait.ge [sflag:s29], $0x1  }
0xb3: {  	[sflag:s29] =	ssyncadd.s32 $0xFFFFFFFF  }
0xb4: {  	_ =	strace $0x90000048  }
0xb5: {  	_ =	sfence  }
0xb6: {  	s30 =	sld [smem:$0x0];
	_ =	sdelay $0x2  }
0xb7: {  	s31 =	sshll.u32 s1, $0xD;
	s1 =	sshrl.u32 s1, $0x2  }
0xb8: {  	s3 =	sand.u32 $0x4000, s31;
	s1 =	sadd.s32 s1, s30  }
0xb9: {  	s0 =	sor.u32 s3, s0;
	s1 =	sshll.u32 s1, $0x11  }
0xba: {  	s0 =	sor.u32 s1, s0  }
0xbb: {  	s0 =	sadd.s32 $0x8F2B, s0  }
0xbc: {  	[sflag:s0] =	ssyncadd.remote.s32 $0x1  }
0xbd: {  	_ =	sfence.sel $0xFFFF  }
0xbe: {  	[dreg:$0x0] =	wrdreg $0xFFFFFFFF;
	(pc) =	sbr.abs _section_cstart, $3  }
0xbf: {  	[dreg:$0x1] =	wrdreg $0xFFFFFFFF  }
0xc0: {  	_ =	task.clear_ibuf [dreg:s6], $0x2FFFF;
	_ =	strace $0x9FFFFFFF  }
0xc1: {  	(tm) =	ssettm $0x7FFFFFFF  }
tec
execute0_lowered:
.L_overlay_start_1:
0x0: {  	(tag) =	ssettag $0x1  }
0x1: {  	s4 =	rddreg [dreg:$0x0]  }
0x2: {  	s0 =	rddreg [dreg:$0x1];
	s3 =	srdreg.scid  }
0x3: {  	s1 =	stileid.u32;
	s2 =	simm.s32 $0x0;
	s9 =	simm.s32 $0x10000  }
0x4: {  	s3 =	sand.u32 $0x1, s3;
	s5 =	sshll.u32 s1, $0x1;
	[smem:$0x7FF] =	sst s2  }
0x5: {  	s10 =	simm.s32 $0x0;
	s5 =	sor.u32 s3, s5;
	_ =	strace $0x80000047  }
0x6: {  	s7 =	ssub.s32 $0x2, s3;
	s3 =	sadd.s32 $0x2A00, s4;
	s6 =	sshll.u32 s5, $0xC  }
0x7: {  	s8 =	sshrl.u32 s7, $0x1;
	s31 =	sshll.u32 s5, $0x5;
	s6 =	sadd.s32 s6, s4  }
0x8: {  	s7 =	ssub.s32 s7, s8;
	s4 =	sadd.s32 $0x3A00, s4;
	s8 =	simm.s32 $0x8000  }
0x9: {  	v1 =	vimm.f32 $0.0e+00;
	v2 =	vimm.f32 $1.000000000e+00;
	v0 =	vmov s31;
	s5 =	sadd.s32 $0x4A00, s6;
	s6 =	smax.u32 s7, $0x1;
	s7 =	simm.s32 $0x1  }
.LBB2_1:
0xa: {  	s11 =	simm.s32 $0x10080  }
0xb: {  	[tilespmem:s11+$0xFFFFFF80] =	vst v1  }
0xc: {  	[tilespmem:s11+$0x70] =	vst v1  }
0xd: {  	[tilespmem:s11+$0x60] =	vst v1  }
0xe: {  	[tilespmem:s11+$0x50] =	vst v1  }
0xf: {  	[tilespmem:s11+$0x40] =	vst v1  }
0x10: {  	[tilespmem:s11+$0x30] =	vst v1  }
0x11: {  	[tilespmem:s11+$0x20] =	vst v1  }
0x12: {  	[tilespmem:s11+$0x10] =	vst v1  }
0x13: {  	[tilespmem:s11+$0x0] =	vst v1  }
0x14: {  	[tilespmem:s11+$0xFFFFFFF0] =	vst v1  }
0x15: {  	[tilespmem:s11+$0xFFFFFFE0] =	vst v1  }
0x16: {  	[tilespmem:s11+$0xFFFFFFD0] =	vst v1  }
0x17: {  	[tilespmem:s11+$0xFFFFFFC0] =	vst v1  }
0x18: {  	[tilespmem:s11+$0xFFFFFFB0] =	vst v1  }
0x19: {  	s12 =	simm.s32 $0x0;
	[tilespmem:s11+$0xFFFFFFA0] =	vst v1  }
.LBB2_2:
0x1a: {  	s12 =	sadd.s32 $0x10, s12;
	[tilespmem:s11+$0xFFFFFF90] =	vst v1;
	s11 =	sadd.s32 $0x100, s11  }
0x1b: {  	[tilespmem:s11+$0xFFFFFF80] =	vst v1;
	p0 =	slt.u32 s12, $0x7F0  }
0x1c: {  	[tilespmem:s11+$0x70] =	vst v1  }
0x1d: {  	[tilespmem:s11+$0x60] =	vst v1  }
0x1e: {  	[tilespmem:s11+$0x50] =	vst v1  }
0x1f: {  	[tilespmem:s11+$0x40] =	vst v1  }
0x20: {  	[tilespmem:s11+$0x30] =	vst v1  }
0x21: {  	[tilespmem:s11+$0x20] =	vst v1  }
0x22: {  	[tilespmem:s11+$0x10] =	vst v1  }
0x23: {  	[tilespmem:s11+$0x0] =	vst v1  }
0x24: {  	[tilespmem:s11+$0xFFFFFFF0] =	vst v1  }
.Ltmp0:
0x25: {  	[tilespmem:s11+$0xFFFFFFE0] =	vst v1;
	(pc) =	sbr.rel @p0 .LBB2_2-.Ltmp0, $4  }
0x26: {  	[tilespmem:s11+$0xFFFFFFD0] =	vst v1  }
0x27: {  	[tilespmem:s11+$0xFFFFFFC0] =	vst v1  }
0x28: {  	[tilespmem:s11+$0xFFFFFFB0] =	vst v1  }
0x29: {  	[tilespmem:s11+$0xFFFFFFA0] =	vst v1  }
0x2a: {  	[tilespmem:s11+$0xFFFFFF90] =	vst v1  }
0x2b: {  	[tilespmem:s2], [sflag:$0x1] =	stream.linear.gather [hbm4b:s3+s2], $0x8000, $0x38;
	[tilespmem:$0x18000] =	vst v63  }
0x2c: {  	_ =	swait.ge [sflag:s7], $0x8000  }
0x2d: {  	[sflag:s7] =	ssyncset.done $0x0  }
0x2e: {  	[sflag:s7] =	ssyncadd.s32 $0xFFFF8000  }
0x2f: {  	[tilespmem:s8], [sflag:$0x1] =	stream.linear.gather [hbm4b:s4+s2], $0x8000, $0x38;
	[tilespmem:$0x18000] =	vst v63  }
0x30: {  	_ =	swait.ge [sflag:s7], $0x8000  }
0x31: {  	s11 =	simm.s32 $0xFFFFFFF8;
	[sflag:s7] =	ssyncset.done $0x0  }
0x32: {  	s12 =	simm.s32 $0x40;
	s13 =	simm.s32 $0x8040;
	[sflag:s7] =	ssyncadd.s32 $0xFFFF8000  }
.LBB2_4:
0x33: {  	v3 =	vld [tilespmem:s13+$0xFFFFFFC0];
	_ =	sdelay $0x1  }
0x34: {  	v4 =	vld [tilespmem:s12+$0xFFFFFFC0];
	_ =	sdelay $0x2  }
0x35: {  	v3 =	vsub.s32 v3, v0  }
0x36: {  	v5 =	vshll.u32 v3, $0xA  }
0x37: {  	vm0 =	vlt.u32 v3, $0x20;
	v3 =	vadd.s32 v4, v5  }
0x38: {  	v3 =	vnsel vm0, $0x0, v3;
	_ =	sdelay $0x4  }
0x39: {  	[tilespmem:v3+s9+$0x0] =	vst.idx.add.f32.msk vm0, v2  }
0x3a: {  	v3 =	vld [tilespmem:s13+$0xFFFFFFD0];
	_ =	sdelay $0x1  }
0x3b: {  	v50 =	vld [tilespmem:s12+$0xFFFFFFD0];
	_ =	sdelay $0x2  }
0x3c: {  	v3 =	vsub.s32 v3, v0  }
0x3d: {  	v51 =	vshll.u32 v3, $0xA  }
0x3e: {  	vm9 =	vlt.u32 v3, $0x20;
	v3 =	vadd.s32 v50, v51  }
0x3f: {  	v3 =	vnsel vm9, $0x0, v3;
	_ =	sdelay $0x4  }
0x40: {  	[tilespmem:v3+s9+$0x0] =	vst.idx.add.f32.msk vm9, v2  }
0x41: {  	v3 =	vld [tilespmem:s13+$0xFFFFFFE0];
	_ =	sdelay $0x1  }
0x42: {  	v52 =	vld [tilespmem:s12+$0xFFFFFFE0];
	_ =	sdelay $0x2  }
0x43: {  	v3 =	vsub.s32 v3, v0  }
0x44: {  	v53 =	vshll.u32 v3, $0xA  }
0x45: {  	vm10 =	vlt.u32 v3, $0x20;
	v3 =	vadd.s32 v52, v53  }
0x46: {  	v3 =	vnsel vm10, $0x0, v3;
	_ =	sdelay $0x4  }
0x47: {  	[tilespmem:v3+s9+$0x0] =	vst.idx.add.f32.msk vm10, v2  }
0x48: {  	v3 =	vld [tilespmem:s13+$0xFFFFFFF0];
	_ =	sdelay $0x1  }
0x49: {  	v54 =	vld [tilespmem:s12+$0xFFFFFFF0];
	_ =	sdelay $0x2  }
0x4a: {  	v3 =	vsub.s32 v3, v0  }
0x4b: {  	v55 =	vshll.u32 v3, $0xA  }
0x4c: {  	vm11 =	vlt.u32 v3, $0x20;
	v3 =	vadd.s32 v54, v55  }
0x4d: {  	v3 =	vnsel vm11, $0x0, v3;
	_ =	sdelay $0x4  }
0x4e: {  	[tilespmem:v3+s9+$0x0] =	vst.idx.add.f32.msk vm11, v2  }
0x4f: {  	v3 =	vld [tilespmem:s13+$0x0];
	_ =	sdelay $0x1  }
0x50: {  	v56 =	vld [tilespmem:s12+$0x0];
	_ =	sdelay $0x2  }
0x51: {  	v3 =	vsub.s32 v3, v0  }
0x52: {  	v57 =	vshll.u32 v3, $0xA  }
0x53: {  	vm12 =	vlt.u32 v3, $0x20;
	v3 =	vadd.s32 v56, v57  }
0x54: {  	v3 =	vnsel vm12, $0x0, v3;
	_ =	sdelay $0x4  }
0x55: {  	[tilespmem:v3+s9+$0x0] =	vst.idx.add.f32.msk vm12, v2  }
0x56: {  	v3 =	vld [tilespmem:s13+$0x10];
	_ =	sdelay $0x1  }
0x57: {  	v58 =	vld [tilespmem:s12+$0x10];
	_ =	sdelay $0x2  }
0x58: {  	v3 =	vsub.s32 v3, v0  }
0x59: {  	v59 =	vshll.u32 v3, $0xA  }
0x5a: {  	vm13 =	vlt.u32 v3, $0x20;
	v3 =	vadd.s32 v58, v59  }
0x5b: {  	v3 =	vnsel vm13, $0x0, v3;
	_ =	sdelay $0x4  }
0x5c: {  	[tilespmem:v3+s9+$0x0] =	vst.idx.add.f32.msk vm13, v2  }
0x5d: {  	v3 =	vld [tilespmem:s13+$0x20];
	_ =	sdelay $0x1  }
0x5e: {  	v60 =	vld [tilespmem:s12+$0x20];
	_ =	sdelay $0x2  }
0x5f: {  	v3 =	vsub.s32 v3, v0  }
0x60: {  	v61 =	vshll.u32 v3, $0xA  }
0x61: {  	vm14 =	vlt.u32 v3, $0x20;
	v3 =	vadd.s32 v60, v61  }
0x62: {  	v3 =	vnsel vm14, $0x0, v3;
	_ =	sdelay $0x4  }
0x63: {  	[tilespmem:v3+s9+$0x0] =	vst.idx.add.f32.msk vm14, v2  }
0x64: {  	v3 =	vld [tilespmem:s13+$0x30];
	_ =	sdelay $0x1  }
0x65: {  	v62 =	vld [tilespmem:s12+$0x30];
	_ =	sdelay $0x2  }
0x66: {  	v3 =	vsub.s32 v3, v0  }
0x67: {  	v63 =	vshll.u32 v3, $0xA  }
0x68: {  	s11 =	sadd.s32 $0x8, s11;
	vm15 =	vlt.u32 v3, $0x20;
	v3 =	vadd.s32 v62, v63  }
0x69: {  	p0 =	slt.u32 s11, $0x7F8;
	v3 =	vnsel vm15, $0x0, v3  }
.Ltmp1:
0x6a: {  	_ = 	snop;
	(pc) =	sbr.rel @p0 .LBB2_4-.Ltmp1, $2  }
0x6b: {  	_ =	sdelay $0x2  }
0x6c: {  	s12 =	sadd.s32 $0x80, s12;
	s13 =	sadd.s32 $0x80, s13;
	[tilespmem:v3+s9+$0x0] =	vst.idx.add.f32.msk vm15, v2  }
0x6d: {  	s10 =	sadd.s32 $0x1, s10  }
0x6e: {  	p0 =	sne.s32 s10, s6  }
.Ltmp2:
0x6f: {  	_ = 	snop;
	(pc) =	sbr.rel @p0 .LBB2_1-.Ltmp2, $4  }
0x70: {  	[hbm4b:s5+s2] =	stream.linear.scatter [tilespmem:s9], [sflag:$0x1], $0x8000, $0x38;
	[tilespmem:$0x18000] =	vst v63  }
0x71: {  	_ =	swait.ge [sflag:s7], $0x8000  }
0x72: {  	[sflag:s7] =	ssyncset.done $0x0  }
0x73: {  	[sflag:s7] =	ssyncadd.s32 $0xFFFF8000  }
0x74: {  	_ =	sfence.sel $0x180000  }
0x75: {  	[bflag:$0x0] =	sbarrier.arrive $0xFFFF  }
0x76: {  	p0 =	sne.s32 s1, $0x0;
	_ =	strace $0x90000047  }
0x77: {  	s0 =	sadd.s32 @!p0 $0x100000, s0;
	[bflag:$0x2] =	sbarrier.arrive $0xFFFF  }
0x78: {  	[sflag:s0] =	ssyncadd.tile.s32 @!p0 $0x1;
	_ =	shalt  }
.Lfunc_end2:
_tile_overlayer_lowered:
.L_overlay_start_2:
0x79: {  	(tag) =	ssettag $0x2  }
0x7a: {  	s0 =	rddreg [dreg:$0x0];
	s2 =	stileid.u32  }
0x7b: {  	s1 =	rddreg [dreg:$0x1];
	p0 =	sne.s32 s2, $0x0  }
0x7c: {  	s3 =	rddreg [dreg:$0x2];
	[bflag:$0x3] =	sbarrier.arrive $0xFFFF;
	s2 =	simm.s32 @!p0 $0x1C01  }
0x7d: {  	[timem:s3], [sflag:s2] =	dma.local @!p0 [hbm:s0], s1  }
0x7e: {  	s0 =	simm.s32 @!p0 $0x1  }
0x7f: {  	_ =	swait.ge @!p0 [sflag:s0], s1  }
0x80: {  	s1 =	ssub.s32 @!p0 $0x0, s1;
	[sflag:s0] =	ssyncset.done @!p0 $0x0  }
0x81: {  	[sflag:s0] =	ssyncadd.s32 @!p0 s1  }
0x82: {  	[bflag:$0x3] =	sbarrier.arrive $0xFFFF  }
0x83: {  	_ =	shalt  }

</sc_bundles>
